<compile_context>
chip_gen: v7x
topology: tpu7x:2x2x1
jax: 0.10.2.dev20260603
libtpu: 0.0.44.dev20260713+nightly
codegen_flags: <defaults>
</compile_context>

<pallas_src>
import functools

import jax
import jax.numpy as jnp
from jax import lax
from jax.experimental import pallas as pl
from jax.experimental.pallas import tpu as pltpu
from jax.experimental.pallas import tpu_sc as plsc

_N = 50000
_EH = 400000
_NODE_DIM = 128
_EDGE_DIM = 64
_RBF = 16
_INV_SIGMA = 16.0 / 10.0
_MU_STEP = 10.0 / 15.0

_NC = 2
_NW = 32
_EPAD = 409600
_BPW = _EPAD // _NW
_CH = 2560
_NCHUNK = _BPW // _CH

_N_CAT_A = 16
_BN = 2000
_BE = 3200


def _sc_d2_body(xcat, ids2, d2t, d21, nd2,
                idx0, idx1, land0, land1, d2t_v, d21_v, nd2_v, sem):
    wid = lax.axis_index("s") * _NC + lax.axis_index("c")
    iota = lax.broadcasted_iota(jnp.int32, (16,), 0)
    wbase = wid * _NCHUNK

    def compute(land, ebase):
        def grp(j, carry2):
            ei = j * 16 + iota
            zt = jnp.zeros((16,), jnp.float32)
            z1 = jnp.zeros((16,), jnp.float32)
            for col in range(3):
                ci = jnp.full((16,), col, jnp.int32)
                dv = (plsc.load_gather(land, [ei, ci])
                      - plsc.load_gather(land, [ei + _CH, ci]))
                zt = zt + dv * dv
            for col in range(3, 6):
                ci = jnp.full((16,), col, jnp.int32)
                dv = (plsc.load_gather(land, [ei, ci])
                      - plsc.load_gather(land, [ei + _CH, ci]))
                z1 = z1 + dv * dv
            d2t_v[pl.ds(j * 16, 16)] = zt
            d21_v[pl.ds(j * 16, 16)] = z1
            return carry2

        lax.fori_loop(0, _CH // 16, grp, 0)
        pltpu.sync_copy(d2t_v, d2t.at[pl.ds(ebase, _CH)])
        pltpu.sync_copy(d21_v, d21.at[pl.ds(ebase, _CH)])

    def fire(g, idx, land):
        pltpu.sync_copy(ids2.at[g], idx)
        return pltpu.async_copy(xcat.at[idx], land, sem)

    bufs = ((idx0, land0), (idx1, land1))
    cps = [fire(wbase, idx0, land0), fire(wbase + 1, idx1, land1)]
    for c in range(_NCHUNK):
        b = c % 2
        cps[b].wait()
        compute(bufs[b][1], (wbase + c) * _CH)
        if c + 2 < _NCHUNK:
            cps[b] = fire(wbase + c + 2, *bufs[b])

    @pl.when(wid < _N // _BN)
    def _node_d2():
        nbase = wid * _BN
        pltpu.sync_copy(xcat.at[pl.ds(nbase, _BN)], land0.at[pl.ds(0, _BN)])

        def ngrp(j, carry2):
            ei = j * 16 + iota
            z = jnp.zeros((16,), jnp.float32)
            for col in range(3):
                ci = jnp.full((16,), col, jnp.int32)
                ci3 = jnp.full((16,), col + 3, jnp.int32)
                dv = (plsc.load_gather(land0, [ei, ci])
                      - plsc.load_gather(land0, [ei, ci3]))
                z = z + dv * dv
            nd2_v[pl.ds(j * 16, 16)] = z
            return carry2

        lax.fori_loop(0, _BN // 16, ngrp, 0)
        pltpu.sync_copy(nd2_v, nd2.at[pl.ds(nbase, _BN)])


@functools.cache
def _sc_d2():
    return pl.kernel(
        _sc_d2_body,
        out_type=[jax.ShapeDtypeStruct((_EPAD,), jnp.float32),
                  jax.ShapeDtypeStruct((_EPAD,), jnp.float32),
                  jax.ShapeDtypeStruct((_NW * _BN,), jnp.float32)],
        mesh=plsc.VectorSubcoreMesh(core_axis_name="c", subcore_axis_name="s"),
        compiler_params=pltpu.CompilerParams(
            use_tc_tiling_on_sc=False, needs_layout_passes=False),
        scratch_types=[
            pltpu.VMEM((2 * _CH,), jnp.int32),
            pltpu.VMEM((2 * _CH,), jnp.int32),
            pltpu.VMEM((2 * _CH, 8), jnp.float32),
            pltpu.VMEM((2 * _CH, 8), jnp.float32),
            pltpu.VMEM((_CH,), jnp.float32),
            pltpu.VMEM((_CH,), jnp.float32),
            pltpu.VMEM((_BN,), jnp.float32),
            pltpu.SemaphoreType.DMA,
        ],
    )


def _mu_row():
    it = lax.broadcasted_iota(jnp.int32, (1, _RBF), 1)
    return it.astype(jnp.float32) * _MU_STEP


def _mu_col():
    it = lax.broadcasted_iota(jnp.int32, (_RBF, 1), 0)
    return it.astype(jnp.float32) * _MU_STEP


def _node_body(nd2_ref, aT3_ref, s_ref, wx_ref, wa_ref, wn_ref,
               bxa_ref, bn_ref, o_ref):
    r = pl.program_id(0)
    dist = jnp.sqrt(jnp.clip(nd2_ref[pl.ds(r, 1), :], 1e-8, None))
    rr = (dist - _mu_col()) * _INV_SIGMA
    rbfT = jnp.exp(-(rr * rr))
    aT = aT3_ref[:, pl.ds(r, 1), :].reshape(_N_CAT_A, _BN)
    dims = (((0,), (0,)), ((), ()))
    h = (lax.dot_general(rbfT, wx_ref[...], dims,
                         preferred_element_type=jnp.float32)
         + lax.dot_general(aT, wa_ref[...], dims,
                           preferred_element_type=jnp.float32)
         + bxa_ref[...])
    z = jnp.dot(h, wn_ref[...], preferred_element_type=jnp.float32) + bn_ref[...]
    o_ref[...] = s_ref[...] + z * jax.nn.sigmoid(z)


def _edge_body(eT_ref, deT_ref, d2t_ref, d21_ref, w1t_ref, w2t_ref, w3t_ref,
               bet_ref, o_ref):
    r = pl.program_id(0) // 2
    mu = _mu_col()
    dt = jnp.sqrt(jnp.clip(d2t_ref[pl.ds(r, 1), :], 1e-8, None))
    d1 = jnp.sqrt(jnp.clip(d21_ref[pl.ds(r, 1), :], 1e-8, None))
    rt = (dt - mu) * _INV_SIGMA
    r1 = (d1 - mu) * _INV_SIGMA
    dinT = jnp.exp(-(r1 * r1)) - jnp.exp(-(rt * rt))
    acc = (jnp.dot(w1t_ref[...], eT_ref[...],
                   preferred_element_type=jnp.float32)
           + jnp.dot(w3t_ref[...], dinT,
                     preferred_element_type=jnp.float32)
           + bet_ref[...])
    de = deT_ref[...]
    for k in range(5):
        acc = acc + w2t_ref[:, k:k + 1] * de[k:k + 1, :]
    res = acc * jax.nn.sigmoid(acc)
    o_ref[...] = res


def kernel(x_t, s_t, dst_x, dst_a, e_t, dst_e, edge_index,
           W_x, b_x, W_a, b_a, W_node, b_node, W_edge, b_edge):
    src = edge_index[0, :_EH].astype(jnp.int32)
    dst = edge_index[1, :_EH].astype(jnp.int32)
    pad = jnp.zeros((_EPAD - _EH,), jnp.int32)
    nch_tot = _EPAD // _CH
    ids2 = jnp.stack(
        [jnp.concatenate([src, pad]).reshape(nch_tot, _CH),
         jnp.concatenate([dst, pad]).reshape(nch_tot, _CH)],
        axis=1).reshape(nch_tot, 2 * _CH)
    xcat = jnp.concatenate(
        [x_t.T, dst_x.T, jnp.zeros((2, _N), jnp.float32)], axis=0).T

    d2t, d21, nd2 = _sc_d2()(xcat, ids2)

    bxa = (b_x + b_a).reshape(1, _NODE_DIM)
    bn = b_node.reshape(1, _NODE_DIM)
    nblk_n = _N // _BN
    node_out = pl.pallas_call(
        _node_body,
        grid=(nblk_n,),
        in_specs=[
            pl.BlockSpec((_NW, _BN), lambda i: (0, 0)),
            pl.BlockSpec((_N_CAT_A, nblk_n, _BN), lambda i: (0, 0, 0)),
            pl.BlockSpec((_BN, _NODE_DIM), lambda i: (i, 0)),
            pl.BlockSpec((_RBF, _NODE_DIM), lambda i: (0, 0)),
            pl.BlockSpec((16, _NODE_DIM), lambda i: (0, 0)),
            pl.BlockSpec((_NODE_DIM, _NODE_DIM), lambda i: (0, 0)),
            pl.BlockSpec((1, _NODE_DIM), lambda i: (0, 0)),
            pl.BlockSpec((1, _NODE_DIM), lambda i: (0, 0)),
        ],
        out_specs=pl.BlockSpec((_BN, _NODE_DIM), lambda i: (i, 0)),
        out_shape=jax.ShapeDtypeStruct((_N, _NODE_DIM), jnp.float32),
    )(nd2.reshape(_NW, _BN), dst_a.T.reshape(_N_CAT_A, nblk_n, _BN),
      s_t, W_x, W_a, W_node, bxa, bn)

    w1t = W_edge[:_EDGE_DIM].T
    w2t = W_edge[_EDGE_DIM:_EDGE_DIM + 5].T
    w3t = W_edge[_EDGE_DIM + 5:].T
    bet = b_edge.reshape(_EDGE_DIM, 1)
    nrow = _EPAD // _BE
    nblk = _EH // _BE
    edge2 = pl.pallas_call(
        _edge_body,
        grid=(2 * nblk,),
        in_specs=[
            pl.BlockSpec((_EDGE_DIM, _BE), lambda i: (0, i // 2)),
            pl.BlockSpec((5, _BE), lambda i: (0, i // 2)),
            pl.BlockSpec((nrow, _BE), lambda i: (0, 0)),
            pl.BlockSpec((nrow, _BE), lambda i: (0, 0)),
            pl.BlockSpec((_EDGE_DIM, _EDGE_DIM), lambda i: (0, 0)),
            pl.BlockSpec((_EDGE_DIM, 5), lambda i: (0, 0)),
            pl.BlockSpec((_EDGE_DIM, _RBF), lambda i: (0, 0)),
            pl.BlockSpec((_EDGE_DIM, 1), lambda i: (0, 0)),
        ],
        out_specs=pl.BlockSpec(
            (_EDGE_DIM, _BE), lambda i: (0, (i % 2) * nblk + i // 2)),
        out_shape=jax.ShapeDtypeStruct((_EDGE_DIM, 2 * _EH), jnp.float32),
    )(e_t.T, dst_e.T, d2t.reshape(nrow, _BE), d21.reshape(nrow, _BE),
      w1t, w2t, w3t, bet)

    return node_out, edge2.T

# --- scband reference (transcript-rebuilt; emitter-appended) ---
"""Pipeline reference for scband-self-conditioning-residual-layer-72533407694861 (READ-ONLY COPY).

The authoritative reference and input builder live on the scoring server;
editing this copy changes nothing except your own understanding.
"""

import jax, jax.numpy as jnp
import numpy as np

N_NODES = 50000
N_EDGES_HALF = 400000
NODE_DIM = 128
EDGE_DIM = 64
RBF_DIM = 16
RBF_DMAX = 10.0
N_CAT_A = 16
N_CAT_E = 5


def _norm_no_nan(x):
    return jnp.sqrt(jnp.clip(jnp.sum(x * x, axis=-1), 1e-8, None))


def _rbf(D, D_max, D_count):
    mu = jnp.linspace(0.0, D_max, D_count)
    sigma = D_max / D_count
    return jnp.exp(-(((D[..., None] - mu) / sigma) ** 2))


def setup_inputs(seed: int = 0) -> dict:
    key = jax.random.key(seed)
    ks = jax.random.split(key, 16)
    x_t = jax.random.normal(ks[0], (N_NODES, 3), dtype=jnp.float32)
    s_t = jax.random.normal(ks[1], (N_NODES, NODE_DIM), dtype=jnp.float32)
    dst_x = jax.random.normal(ks[2], (N_NODES, 3), dtype=jnp.float32)
    dst_a = jax.random.uniform(ks[3], (N_NODES, N_CAT_A), dtype=jnp.float32)
    e_t = jax.random.normal(ks[4], (2 * N_EDGES_HALF, EDGE_DIM), dtype=jnp.float32)
    dst_e = jax.random.uniform(ks[5], (N_EDGES_HALF, N_CAT_E), dtype=jnp.float32)
    src = jax.random.randint(ks[6], (N_EDGES_HALF,), 0, N_NODES, dtype=jnp.int64 if jax.config.jax_enable_x64 else jnp.int32)
    dst = jax.random.randint(ks[7], (N_EDGES_HALF,), 0, N_NODES, dtype=src.dtype)
    edge_index = jnp.stack([jnp.concatenate([src, dst]), jnp.concatenate([dst, src])], axis=0)
    W_x = jax.random.normal(ks[8], (RBF_DIM, NODE_DIM), dtype=jnp.float32) * 0.1
    b_x = jnp.zeros((NODE_DIM,), dtype=jnp.float32)
    W_a = jax.random.normal(ks[9], (N_CAT_A, NODE_DIM), dtype=jnp.float32) * 0.1
    b_a = jnp.zeros((NODE_DIM,), dtype=jnp.float32)
    W_node = jax.random.normal(ks[10], (NODE_DIM, NODE_DIM), dtype=jnp.float32) * 0.05
    b_node = jnp.zeros((NODE_DIM,), dtype=jnp.float32)
    W_edge = jax.random.normal(ks[11], (EDGE_DIM + N_CAT_E + RBF_DIM, EDGE_DIM), dtype=jnp.float32) * 0.05
    b_edge = jnp.zeros((EDGE_DIM,), dtype=jnp.float32)
    return {"x_t": x_t, "s_t": s_t, "dst_x": dst_x, "dst_a": dst_a, "e_t": e_t,
            "dst_e": dst_e, "edge_index": edge_index, "W_x": W_x, "b_x": b_x,
            "W_a": W_a, "b_a": b_a, "W_node": W_node, "b_node": b_node,
            "W_edge": W_edge, "b_edge": b_edge}


def reference(x_t, s_t, dst_x, dst_a, e_t, dst_e, edge_index,
              W_x, b_x, W_a, b_a, W_node, b_node, W_edge, b_edge):
    # --- node residual: lig_x modality (position self-conditioning) ---
    dij = _norm_no_nan(x_t - dst_x)                      # [N]
    dij = _rbf(dij, RBF_DMAX, RBF_DIM)                   # [N, rbf]
    node_in_x = dij @ W_x + b_x                          # t1 embedding (lig_x)
    # --- node residual: lig_a modality (categorical self-conditioning) ---
    node_in_a = dst_a @ W_a + b_a                        # t1 embedding (lig_a)
    res_inputs = node_in_x + node_in_a
    node_residual = jax.nn.silu(res_inputs @ W_node + b_node)
    node_feats_out = s_t + node_residual
    # --- edge residual for lig_to_lig ---
    src = edge_index[0]
    dst = edge_index[1]
    d_edge_t = _rbf(_norm_no_nan(x_t[src] - x_t[dst]), RBF_DMAX, RBF_DIM)     # [E, rbf]
    d_edge_1 = _rbf(_norm_no_nan(dst_x[src] - dst_x[dst]), RBF_DMAX, RBF_DIM)
    e_half = e_t.shape[0] // 2  # upper_edge_mask == first half (paired reversed edges in second half)
    d_input = (d_edge_1 - d_edge_t)[:e_half]
    edge_residual_inputs = jnp.concatenate([e_t[:e_half], dst_e, d_input], axis=-1)
    edge_residual = jax.nn.silu(edge_residual_inputs @ W_edge + b_edge)
    edge_feats_out = jnp.concatenate([edge_residual, edge_residual], axis=0)  # write to upper and lower halves
    return (node_feats_out, edge_feats_out)

if __name__ == "__main__":
    import jax
    _d = setup_inputs()
    print(jax.jit(kernel)(*tuple(_d.values())))

</pallas_src>

<mosaic_0001>
#map = affine_map<(d0, d1) -> (0, 0)>
#map1 = affine_map<(d0, d1) -> (0)>
module attributes {stable_mosaic.version = 14 : i64} {
  func.func @_sc_d2_body(%arg0: i32, %arg1: i32, %arg2: memref<50000x8xf32, #tpu.memory_space<hbm>>, %arg3: memref<160x5120xi32, #tpu.memory_space<hbm>>, %arg4: memref<409600xf32, #tpu.memory_space<hbm>>, %arg5: memref<409600xf32, #tpu.memory_space<hbm>>, %arg6: memref<64000xf32, #tpu.memory_space<hbm>>, %arg7: memref<5120xi32, #tpu.memory_space<vmem>>, %arg8: memref<5120xi32, #tpu.memory_space<vmem>>, %arg9: memref<5120x8xf32, #tpu.memory_space<vmem>>, %arg10: memref<5120x8xf32, #tpu.memory_space<vmem>>, %arg11: memref<2560xf32, #tpu.memory_space<vmem>>, %arg12: memref<2560xf32, #tpu.memory_space<vmem>>, %arg13: memref<2000xf32, #tpu.memory_space<vmem>>, %arg14: memref<!tpu.dma_semaphore, #tpu.memory_space<semaphore_mem>>) attributes {dimension_semantics = [#tpu.dimension_semantics<core_parallel>, #tpu.dimension_semantics<subcore_parallel>], iteration_bounds = array<i64: 2, 16>, scalar_prefetch = 0 : i64, scratch_operands = 8 : i64, tpu.core_type = #tpu.core_type<sc_vector_subcore>, window_params = [{transform_indices = #map}, {transform_indices = #map}, {transform_indices = #map1}, {transform_indices = #map1}, {transform_indices = #map1}]} {
    %mul3A = arith.constant 2 : i32
    %mul3A_0 = arith.muli %arg1, %mul3A : i32
    %add3A = arith.addi %mul3A_0, %arg0 : i32
    %iota3A = tpu.iota {dimensions = array<i32: 0>} : vector<16xi32>
    %mul3A_1 = arith.constant 5 : i32
    %mul3A_2 = arith.muli %add3A, %mul3A_1 : i32
    "tpu.region"() ({
      %run_scoped3A = tpu.sem_alloc : memref<!tpu.dma_semaphore, #tpu.memory_space<semaphore_mem>>
      %dma_start3A_96 = arith.constant 0 : i32
      %dma_start3A_97 = tpu.memref_slice %arg3[%mul3A_2, %dma_start3A_96] : memref<160x5120xi32, #tpu.memory_space<hbm>> -> memref<1x5120xi32, #tpu.memory_space<hbm>>
      %dma_start3A_98 = tpu.memref_squeeze %dma_start3A_97 : memref<1x5120xi32, #tpu.memory_space<hbm>> -> memref<5120xi32, #tpu.memory_space<hbm>>
      %dma_start3A_99 = arith.constant 0 : i32
      %dma_start3A_100 = tpu.memref_slice %arg3[%mul3A_2, %dma_start3A_99] : memref<160x5120xi32, #tpu.memory_space<hbm>> -> memref<1x5120xi32, #tpu.memory_space<hbm>>
      %dma_start3A_101 = tpu.memref_squeeze %dma_start3A_100 : memref<1x5120xi32, #tpu.memory_space<hbm>> -> memref<5120xi32, #tpu.memory_space<hbm>>
      tpu.enqueue_dma source(%dma_start3A_101 : memref<5120xi32, #tpu.memory_space<hbm>>) target(%arg7 : memref<5120xi32, #tpu.memory_space<vmem>>) target_semaphore(%run_scoped3A : memref<!tpu.dma_semaphore, #tpu.memory_space<semaphore_mem>>)
      %dma_wait3A_102 = arith.constant 0 : i32
      %dma_wait3A_103 = tpu.memref_slice %arg3[%mul3A_2, %dma_wait3A_102] : memref<160x5120xi32, #tpu.memory_space<hbm>> -> memref<1x5120xi32, #tpu.memory_space<hbm>>
      %dma_wait3A_104 = tpu.memref_squeeze %dma_wait3A_103 : memref<1x5120xi32, #tpu.memory_space<hbm>> -> memref<5120xi32, #tpu.memory_space<hbm>>
      %dma_wait3A_105 = arith.constant 0 : i32
      %dma_wait3A_106 = tpu.memref_slice %arg3[%mul3A_2, %dma_wait3A_105] : memref<160x5120xi32, #tpu.memory_space<hbm>> -> memref<1x5120xi32, #tpu.memory_space<hbm>>
      %dma_wait3A_107 = tpu.memref_squeeze %dma_wait3A_106 : memref<1x5120xi32, #tpu.memory_space<hbm>> -> memref<5120xi32, #tpu.memory_space<hbm>>
      tpu.wait_dma2 semaphore(%run_scoped3A : memref<!tpu.dma_semaphore, #tpu.memory_space<semaphore_mem>>) src(%dma_wait3A_107 : memref<5120xi32, #tpu.memory_space<hbm>>) dst(%arg7 : memref<5120xi32, #tpu.memory_space<vmem>>)
      tpu.yield
    }) : () -> ()
    %dma_start3A = arith.constant 0 : i32
    %dma_start3A_3 = arith.constant 0 : i32
    %dma_start3A_4 = tpu.memref_slice %arg2[%dma_start3A, %dma_start3A_3] : memref<50000x8xf32, #tpu.memory_space<hbm>> -> memref<50000x8xf32, #tpu.memory_space<hbm>>
    tpu.enqueue_indirect_dma source(%dma_start3A_4 : memref<50000x8xf32, #tpu.memory_space<hbm>>) target(%arg9 : memref<5120x8xf32, #tpu.memory_space<vmem>>) offsets(%arg7 : memref<5120xi32, #tpu.memory_space<vmem>>) semaphore(%arg14 : memref<!tpu.dma_semaphore, #tpu.memory_space<semaphore_mem>>)
    %add3A_5 = arith.constant 1 : i32
    %add3A_6 = arith.addi %mul3A_2, %add3A_5 : i32
    "tpu.region"() ({
      %run_scoped3A = tpu.sem_alloc : memref<!tpu.dma_semaphore, #tpu.memory_space<semaphore_mem>>
      %dma_start3A_96 = arith.constant 0 : i32
      %dma_start3A_97 = tpu.memref_slice %arg3[%add3A_6, %dma_start3A_96] : memref<160x5120xi32, #tpu.memory_space<hbm>> -> memref<1x5120xi32, #tpu.memory_space<hbm>>
      %dma_start3A_98 = tpu.memref_squeeze %dma_start3A_97 : memref<1x5120xi32, #tpu.memory_space<hbm>> -> memref<5120xi32, #tpu.memory_space<hbm>>
      %dma_start3A_99 = arith.constant 0 : i32
      %dma_start3A_100 = tpu.memref_slice %arg3[%add3A_6, %dma_start3A_99] : memref<160x5120xi32, #tpu.memory_space<hbm>> -> memref<1x5120xi32, #tpu.memory_space<hbm>>
      %dma_start3A_101 = tpu.memref_squeeze %dma_start3A_100 : memref<1x5120xi32, #tpu.memory_space<hbm>> -> memref<5120xi32, #tpu.memory_space<hbm>>
      tpu.enqueue_dma source(%dma_start3A_101 : memref<5120xi32, #tpu.memory_space<hbm>>) target(%arg8 : memref<5120xi32, #tpu.memory_space<vmem>>) target_semaphore(%run_scoped3A : memref<!tpu.dma_semaphore, #tpu.memory_space<semaphore_mem>>)
      %dma_wait3A_102 = arith.constant 0 : i32
      %dma_wait3A_103 = tpu.memref_slice %arg3[%add3A_6, %dma_wait3A_102] : memref<160x5120xi32, #tpu.memory_space<hbm>> -> memref<1x5120xi32, #tpu.memory_space<hbm>>
      %dma_wait3A_104 = tpu.memref_squeeze %dma_wait3A_103 : memref<1x5120xi32, #tpu.memory_space<hbm>> -> memref<5120xi32, #tpu.memory_space<hbm>>
      %dma_wait3A_105 = arith.constant 0 : i32
      %dma_wait3A_106 = tpu.memref_slice %arg3[%add3A_6, %dma_wait3A_105] : memref<160x5120xi32, #tpu.memory_space<hbm>> -> memref<1x5120xi32, #tpu.memory_space<hbm>>
      %dma_wait3A_107 = tpu.memref_squeeze %dma_wait3A_106 : memref<1x5120xi32, #tpu.memory_space<hbm>> -> memref<5120xi32, #tpu.memory_space<hbm>>
      tpu.wait_dma2 semaphore(%run_scoped3A : memref<!tpu.dma_semaphore, #tpu.memory_space<semaphore_mem>>) src(%dma_wait3A_107 : memref<5120xi32, #tpu.memory_space<hbm>>) dst(%arg8 : memref<5120xi32, #tpu.memory_space<vmem>>)
      tpu.yield
    }) : () -> ()
    %dma_start3A_7 = arith.constant 0 : i32
    %dma_start3A_8 = arith.constant 0 : i32
    %dma_start3A_9 = tpu.memref_slice %arg2[%dma_start3A_7, %dma_start3A_8] : memref<50000x8xf32, #tpu.memory_space<hbm>> -> memref<50000x8xf32, #tpu.memory_space<hbm>>
    tpu.enqueue_indirect_dma source(%dma_start3A_9 : memref<50000x8xf32, #tpu.memory_space<hbm>>) target(%arg10 : memref<5120x8xf32, #tpu.memory_space<vmem>>) offsets(%arg8 : memref<5120xi32, #tpu.memory_space<vmem>>) semaphore(%arg14 : memref<!tpu.dma_semaphore, #tpu.memory_space<semaphore_mem>>)
    %dma_wait3A = arith.constant 0 : i32
    %dma_wait3A_10 = arith.constant 0 : i32
    %dma_wait3A_11 = tpu.memref_slice %arg2[%dma_wait3A, %dma_wait3A_10] : memref<50000x8xf32, #tpu.memory_space<hbm>> -> memref<50000x8xf32, #tpu.memory_space<hbm>>
    tpu.wait_indirect_dma semaphore(%arg14 : memref<!tpu.dma_semaphore, #tpu.memory_space<semaphore_mem>>) src(%dma_wait3A_11 : memref<50000x8xf32, #tpu.memory_space<hbm>>) dst(%arg9 : memref<5120x8xf32, #tpu.memory_space<vmem>>)
    %add3A_12 = arith.constant 0 : i32
    %add3A_13 = arith.addi %mul3A_2, %add3A_12 : i32
    %mul3A_14 = arith.constant 2560 : i32
    %mul3A_15 = arith.muli %add3A_13, %mul3A_14 : i32
    %scan3A = arith.constant 0 : i32
    %scan3A_16 = arith.constant 0 : i32
    %scan3A_17 = arith.constant 160 : i32
    %scan3A_18 = arith.addi %scan3A_16, %scan3A_17 : i32
    %scan3A_19 = arith.constant 1 : i32
    scf.for %scan3A_96 = %scan3A_16 to %scan3A_18 step %scan3A_19  : i32 {
      %mul3A_97 = arith.constant 16 : i32
      %mul3A_98 = arith.muli %scan3A_96, %mul3A_97 : i32
      %add3A_99 = vector.broadcast %mul3A_98 : i32 to vector<16xi32>
      %add3A_100 = arith.addi %add3A_99, %iota3A : vector<16xi32>
      %broadcast_in_dim3A = arith.constant 0.000000e+00 : f32
      %broadcast_in_dim3A_101 = vector.broadcast %broadcast_in_dim3A : f32 to vector<16xf32>
      %broadcast_in_dim3A_102 = arith.constant 0.000000e+00 : f32
      %broadcast_in_dim3A_103 = vector.broadcast %broadcast_in_dim3A_102 : f32 to vector<16xf32>
      %broadcast_in_dim3A_104 = arith.constant 0 : i32
      %broadcast_in_dim3A_105 = vector.broadcast %broadcast_in_dim3A_104 : i32 to vector<16xi32>
      %gather3A = tpu.vector_load_idx %arg9[%add3A_100, %broadcast_in_dim3A_105] : memref<5120x8xf32, #tpu.memory_space<vmem>>[vector<16xi32>, vector<16xi32>], vector<16xf32>,
      %add3A_106 = arith.constant 2560 : i32
      %add3A_107 = vector.broadcast %add3A_106 : i32 to vector<16xi32>
      %add3A_108 = arith.addi %add3A_100, %add3A_107 : vector<16xi32>
      %gather3A_109 = tpu.vector_load_idx %arg9[%add3A_108, %broadcast_in_dim3A_105] : memref<5120x8xf32, #tpu.memory_space<vmem>>[vector<16xi32>, vector<16xi32>], vector<16xf32>,
      %sub3A = arith.subf %gather3A, %gather3A_109 : vector<16xf32>
      %mul3A_110 = arith.mulf %sub3A, %sub3A : vector<16xf32>
      %add3A_111 = arith.addf %broadcast_in_dim3A_101, %mul3A_110 : vector<16xf32>
      %broadcast_in_dim3A_112 = arith.constant 1 : i32
      %broadcast_in_dim3A_113 = vector.broadcast %broadcast_in_dim3A_112 : i32 to vector<16xi32>
      %gather3A_114 = tpu.vector_load_idx %arg9[%add3A_100, %broadcast_in_dim3A_113] : memref<5120x8xf32, #tpu.memory_space<vmem>>[vector<16xi32>, vector<16xi32>], vector<16xf32>,
      %add3A_115 = arith.constant 2560 : i32
      %add3A_116 = vector.broadcast %add3A_115 : i32 to vector<16xi32>
      %add3A_117 = arith.addi %add3A_100, %add3A_116 : vector<16xi32>
      %gather3A_118 = tpu.vector_load_idx %arg9[%add3A_117, %broadcast_in_dim3A_113] : memref<5120x8xf32, #tpu.memory_space<vmem>>[vector<16xi32>, vector<16xi32>], vector<16xf32>,
      %sub3A_119 = arith.subf %gather3A_114, %gather3A_118 : vector<16xf32>
      %mul3A_120 = arith.mulf %sub3A_119, %sub3A_119 : vector<16xf32>
      %add3A_121 = arith.addf %add3A_111, %mul3A_120 : vector<16xf32>
      %broadcast_in_dim3A_122 = arith.constant 2 : i32
      %broadcast_in_dim3A_123 = vector.broadcast %broadcast_in_dim3A_122 : i32 to vector<16xi32>
      %gather3A_124 = tpu.vector_load_idx %arg9[%add3A_100, %broadcast_in_dim3A_123] : memref<5120x8xf32, #tpu.memory_space<vmem>>[vector<16xi32>, vector<16xi32>], vector<16xf32>,
      %add3A_125 = arith.constant 2560 : i32
      %add3A_126 = vector.broadcast %add3A_125 : i32 to vector<16xi32>
      %add3A_127 = arith.addi %add3A_100, %add3A_126 : vector<16xi32>
      %gather3A_128 = tpu.vector_load_idx %arg9[%add3A_127, %broadcast_in_dim3A_123] : memref<5120x8xf32, #tpu.memory_space<vmem>>[vector<16xi32>, vector<16xi32>], vector<16xf32>,
      %sub3A_129 = arith.subf %gather3A_124, %gather3A_128 : vector<16xf32>
      %mul3A_130 = arith.mulf %sub3A_129, %sub3A_129 : vector<16xf32>
      %add3A_131 = arith.addf %add3A_121, %mul3A_130 : vector<16xf32>
      %broadcast_in_dim3A_132 = arith.constant 3 : i32
      %broadcast_in_dim3A_133 = vector.broadcast %broadcast_in_dim3A_132 : i32 to vector<16xi32>
      %gather3A_134 = tpu.vector_load_idx %arg9[%add3A_100, %broadcast_in_dim3A_133] : memref<5120x8xf32, #tpu.memory_space<vmem>>[vector<16xi32>, vector<16xi32>], vector<16xf32>,
      %add3A_135 = arith.constant 2560 : i32
      %add3A_136 = vector.broadcast %add3A_135 : i32 to vector<16xi32>
      %add3A_137 = arith.addi %add3A_100, %add3A_136 : vector<16xi32>
      %gather3A_138 = tpu.vector_load_idx %arg9[%add3A_137, %broadcast_in_dim3A_133] : memref<5120x8xf32, #tpu.memory_space<vmem>>[vector<16xi32>, vector<16xi32>], vector<16xf32>,
      %sub3A_139 = arith.subf %gather3A_134, %gather3A_138 : vector<16xf32>
      %mul3A_140 = arith.mulf %sub3A_139, %sub3A_139 : vector<16xf32>
      %add3A_141 = arith.addf %broadcast_in_dim3A_103, %mul3A_140 : vector<16xf32>
      %broadcast_in_dim3A_142 = arith.constant 4 : i32
      %broadcast_in_dim3A_143 = vector.broadcast %broadcast_in_dim3A_142 : i32 to vector<16xi32>
      %gather3A_144 = tpu.vector_load_idx %arg9[%add3A_100, %broadcast_in_dim3A_143] : memref<5120x8xf32, #tpu.memory_space<vmem>>[vector<16xi32>, vector<16xi32>], vector<16xf32>,
      %add3A_145 = arith.constant 2560 : i32
      %add3A_146 = vector.broadcast %add3A_145 : i32 to vector<16xi32>
      %add3A_147 = arith.addi %add3A_100, %add3A_146 : vector<16xi32>
      %gather3A_148 = tpu.vector_load_idx %arg9[%add3A_147, %broadcast_in_dim3A_143] : memref<5120x8xf32, #tpu.memory_space<vmem>>[vector<16xi32>, vector<16xi32>], vector<16xf32>,
      %sub3A_149 = arith.subf %gather3A_144, %gather3A_148 : vector<16xf32>
      %mul3A_150 = arith.mulf %sub3A_149, %sub3A_149 : vector<16xf32>
      %add3A_151 = arith.addf %add3A_141, %mul3A_150 : vector<16xf32>
      %broadcast_in_dim3A_152 = arith.constant 5 : i32
      %broadcast_in_dim3A_153 = vector.broadcast %broadcast_in_dim3A_152 : i32 to vector<16xi32>
      %gather3A_154 = tpu.vector_load_idx %arg9[%add3A_100, %broadcast_in_dim3A_153] : memref<5120x8xf32, #tpu.memory_space<vmem>>[vector<16xi32>, vector<16xi32>], vector<16xf32>,
      %add3A_155 = arith.constant 2560 : i32
      %add3A_156 = vector.broadcast %add3A_155 : i32 to vector<16xi32>
      %add3A_157 = arith.addi %add3A_100, %add3A_156 : vector<16xi32>
      %gather3A_158 = tpu.vector_load_idx %arg9[%add3A_157, %broadcast_in_dim3A_153] : memref<5120x8xf32, #tpu.memory_space<vmem>>[vector<16xi32>, vector<16xi32>], vector<16xf32>,
      %sub3A_159 = arith.subf %gather3A_154, %gather3A_158 : vector<16xf32>
      %mul3A_160 = arith.mulf %sub3A_159, %sub3A_159 : vector<16xf32>
      %add3A_161 = arith.addf %add3A_151, %mul3A_160 : vector<16xf32>
      %mul3A_162 = arith.constant 16 : i32
      %mul3A_163 = arith.muli %scan3A_96, %mul3A_162 : i32
      %swap3A = arith.index_cast %mul3A_163 : i32 to index
      %swap3A_164 = tpu.vector_load %arg11[%swap3A] {strides = array<i32>} : memref<2560xf32, #tpu.memory_space<vmem>>, vector<16xf32>,
      tpu.vector_store %arg11[%swap3A], %add3A_131 {strides = array<i32>} : memref<2560xf32, #tpu.memory_space<vmem>>, vector<16xf32>,
      %mul3A_165 = arith.constant 16 : i32
      %mul3A_166 = arith.muli %scan3A_96, %mul3A_165 : i32
      %swap3A_167 = arith.index_cast %mul3A_166 : i32 to index
      %swap3A_168 = tpu.vector_load %arg12[%swap3A_167] {strides = array<i32>} : memref<2560xf32, #tpu.memory_space<vmem>>, vector<16xf32>,
      tpu.vector_store %arg12[%swap3A_167], %add3A_161 {strides = array<i32>} : memref<2560xf32, #tpu.memory_space<vmem>>, vector<16xf32>,
    }
    %scan3A_20 = arith.constant 160 : i32
    "tpu.region"() ({
      %run_scoped3A = tpu.sem_alloc : memref<!tpu.dma_semaphore, #tpu.memory_space<semaphore_mem>>
      %dma_start3A_96 = tpu.memref_slice %arg4[%mul3A_15] : memref<409600xf32, #tpu.memory_space<hbm>> -> memref<2560xf32, #tpu.memory_space<hbm>>
      %dma_start3A_97 = tpu.memref_slice %arg4[%mul3A_15] : memref<409600xf32, #tpu.memory_space<hbm>> -> memref<2560xf32, #tpu.memory_space<hbm>>
      tpu.enqueue_dma source(%arg11 : memref<2560xf32, #tpu.memory_space<vmem>>) target(%dma_start3A_97 : memref<2560xf32, #tpu.memory_space<hbm>>) target_semaphore(%run_scoped3A : memref<!tpu.dma_semaphore, #tpu.memory_space<semaphore_mem>>)
      %dma_wait3A_98 = tpu.memref_slice %arg4[%mul3A_15] : memref<409600xf32, #tpu.memory_space<hbm>> -> memref<2560xf32, #tpu.memory_space<hbm>>
      %dma_wait3A_99 = tpu.memref_slice %arg4[%mul3A_15] : memref<409600xf32, #tpu.memory_space<hbm>> -> memref<2560xf32, #tpu.memory_space<hbm>>
      tpu.wait_dma2 semaphore(%run_scoped3A : memref<!tpu.dma_semaphore, #tpu.memory_space<semaphore_mem>>) src(%arg11 : memref<2560xf32, #tpu.memory_space<vmem>>) dst(%dma_wait3A_99 : memref<2560xf32, #tpu.memory_space<hbm>>)
      tpu.yield
    }) : () -> ()
    "tpu.region"() ({
      %run_scoped3A = tpu.sem_alloc : memref<!tpu.dma_semaphore, #tpu.memory_space<semaphore_mem>>
      %dma_start3A_96 = tpu.memref_slice %arg5[%mul3A_15] : memref<409600xf32, #tpu.memory_space<hbm>> -> memref<2560xf32, #tpu.memory_space<hbm>>
      %dma_start3A_97 = tpu.memref_slice %arg5[%mul3A_15] : memref<409600xf32, #tpu.memory_space<hbm>> -> memref<2560xf32, #tpu.memory_space<hbm>>
      tpu.enqueue_dma source(%arg12 : memref<2560xf32, #tpu.memory_space<vmem>>) target(%dma_start3A_97 : memref<2560xf32, #tpu.memory_space<hbm>>) target_semaphore(%run_scoped3A : memref<!tpu.dma_semaphore, #tpu.memory_space<semaphore_mem>>)
      %dma_wait3A_98 = tpu.memref_slice %arg5[%mul3A_15] : memref<409600xf32, #tpu.memory_space<hbm>> -> memref<2560xf32, #tpu.memory_space<hbm>>
      %dma_wait3A_99 = tpu.memref_slice %arg5[%mul3A_15] : memref<409600xf32, #tpu.memory_space<hbm>> -> memref<2560xf32, #tpu.memory_space<hbm>>
      tpu.wait_dma2 semaphore(%run_scoped3A : memref<!tpu.dma_semaphore, #tpu.memory_space<semaphore_mem>>) src(%arg12 : memref<2560xf32, #tpu.memory_space<vmem>>) dst(%dma_wait3A_99 : memref<2560xf32, #tpu.memory_space<hbm>>)
      tpu.yield
    }) : () -> ()
    %add3A_21 = arith.constant 0 : i32
    %add3A_22 = arith.addi %mul3A_2, %add3A_21 : i32
    %add3A_23 = arith.constant 2 : i32
    %add3A_24 = arith.addi %add3A_22, %add3A_23 : i32
    "tpu.region"() ({
      %run_scoped3A = tpu.sem_alloc : memref<!tpu.dma_semaphore, #tpu.memory_space<semaphore_mem>>
      %dma_start3A_96 = arith.constant 0 : i32
      %dma_start3A_97 = tpu.memref_slice %arg3[%add3A_24, %dma_start3A_96] : memref<160x5120xi32, #tpu.memory_space<hbm>> -> memref<1x5120xi32, #tpu.memory_space<hbm>>
      %dma_start3A_98 = tpu.memref_squeeze %dma_start3A_97 : memref<1x5120xi32, #tpu.memory_space<hbm>> -> memref<5120xi32, #tpu.memory_space<hbm>>
      %dma_start3A_99 = arith.constant 0 : i32
      %dma_start3A_100 = tpu.memref_slice %arg3[%add3A_24, %dma_start3A_99] : memref<160x5120xi32, #tpu.memory_space<hbm>> -> memref<1x5120xi32, #tpu.memory_space<hbm>>
      %dma_start3A_101 = tpu.memref_squeeze %dma_start3A_100 : memref<1x5120xi32, #tpu.memory_space<hbm>> -> memref<5120xi32, #tpu.memory_space<hbm>>
      tpu.enqueue_dma source(%dma_start3A_101 : memref<5120xi32, #tpu.memory_space<hbm>>) target(%arg7 : memref<5120xi32, #tpu.memory_space<vmem>>) target_semaphore(%run_scoped3A : memref<!tpu.dma_semaphore, #tpu.memory_space<semaphore_mem>>)
      %dma_wait3A_102 = arith.constant 0 : i32
      %dma_wait3A_103 = tpu.memref_slice %arg3[%add3A_24, %dma_wait3A_102] : memref<160x5120xi32, #tpu.memory_space<hbm>> -> memref<1x5120xi32, #tpu.memory_space<hbm>>
      %dma_wait3A_104 = tpu.memref_squeeze %dma_wait3A_103 : memref<1x5120xi32, #tpu.memory_space<hbm>> -> memref<5120xi32, #tpu.memory_space<hbm>>
      %dma_wait3A_105 = arith.constant 0 : i32
      %dma_wait3A_106 = tpu.memref_slice %arg3[%add3A_24, %dma_wait3A_105] : memref<160x5120xi32, #tpu.memory_space<hbm>> -> memref<1x5120xi32, #tpu.memory_space<hbm>>
      %dma_wait3A_107 = tpu.memref_squeeze %dma_wait3A_106 : memref<1x5120xi32, #tpu.memory_space<hbm>> -> memref<5120xi32, #tpu.memory_space<hbm>>
      tpu.wait_dma2 semaphore(%run_scoped3A : memref<!tpu.dma_semaphore, #tpu.memory_space<semaphore_mem>>) src(%dma_wait3A_107 : memref<5120xi32, #tpu.memory_space<hbm>>) dst(%arg7 : memref<5120xi32, #tpu.memory_space<vmem>>)
      tpu.yield
    }) : () -> ()
    %dma_start3A_25 = arith.constant 0 : i32
    %dma_start3A_26 = arith.constant 0 : i32
    %dma_start3A_27 = tpu.memref_slice %arg2[%dma_start3A_25, %dma_start3A_26] : memref<50000x8xf32, #tpu.memory_space<hbm>> -> memref<50000x8xf32, #tpu.memory_space<hbm>>
    tpu.enqueue_indirect_dma source(%dma_start3A_27 : memref<50000x8xf32, #tpu.memory_space<hbm>>) target(%arg9 : memref<5120x8xf32, #tpu.memory_space<vmem>>) offsets(%arg7 : memref<5120xi32, #tpu.memory_space<vmem>>) semaphore(%arg14 : memref<!tpu.dma_semaphore, #tpu.memory_space<semaphore_mem>>)
    %dma_wait3A_28 = arith.constant 0 : i32
    %dma_wait3A_29 = arith.constant 0 : i32
    %dma_wait3A_30 = tpu.memref_slice %arg2[%dma_wait3A_28, %dma_wait3A_29] : memref<50000x8xf32, #tpu.memory_space<hbm>> -> memref<50000x8xf32, #tpu.memory_space<hbm>>
    tpu.wait_indirect_dma semaphore(%arg14 : memref<!tpu.dma_semaphore, #tpu.memory_space<semaphore_mem>>) src(%dma_wait3A_30 : memref<50000x8xf32, #tpu.memory_space<hbm>>) dst(%arg10 : memref<5120x8xf32, #tpu.memory_space<vmem>>)
    %add3A_31 = arith.constant 1 : i32
    %add3A_32 = arith.addi %mul3A_2, %add3A_31 : i32
    %mul3A_33 = arith.constant 2560 : i32
    %mul3A_34 = arith.muli %add3A_32, %mul3A_33 : i32
    %scan3A_35 = arith.constant 0 : i32
    %scan3A_36 = arith.constant 0 : i32
    %scan3A_37 = arith.constant 160 : i32
    %scan3A_38 = arith.addi %scan3A_36, %scan3A_37 : i32
    %scan3A_39 = arith.constant 1 : i32
    scf.for %scan3A_96 = %scan3A_36 to %scan3A_38 step %scan3A_39  : i32 {
      %mul3A_97 = arith.constant 16 : i32
      %mul3A_98 = arith.muli %scan3A_96, %mul3A_97 : i32
      %add3A_99 = vector.broadcast %mul3A_98 : i32 to vector<16xi32>
      %add3A_100 = arith.addi %add3A_99, %iota3A : vector<16xi32>
      %broadcast_in_dim3A = arith.constant 0.000000e+00 : f32
      %broadcast_in_dim3A_101 = vector.broadcast %broadcast_in_dim3A : f32 to vector<16xf32>
      %broadcast_in_dim3A_102 = arith.constant 0.000000e+00 : f32
      %broadcast_in_dim3A_103 = vector.broadcast %broadcast_in_dim3A_102 : f32 to vector<16xf32>
      %broadcast_in_dim3A_104 = arith.constant 0 : i32
      %broadcast_in_dim3A_105 = vector.broadcast %broadcast_in_dim3A_104 : i32 to vector<16xi32>
      %gather3A = tpu.vector_load_idx %arg10[%add3A_100, %broadcast_in_dim3A_105] : memref<5120x8xf32, #tpu.memory_space<vmem>>[vector<16xi32>, vector<16xi32>], vector<16xf32>,
      %add3A_106 = arith.constant 2560 : i32
      %add3A_107 = vector.broadcast %add3A_106 : i32 to vector<16xi32>
      %add3A_108 = arith.addi %add3A_100, %add3A_107 : vector<16xi32>
      %gather3A_109 = tpu.vector_load_idx %arg10[%add3A_108, %broadcast_in_dim3A_105] : memref<5120x8xf32, #tpu.memory_space<vmem>>[vector<16xi32>, vector<16xi32>], vector<16xf32>,
      %sub3A = arith.subf %gather3A, %gather3A_109 : vector<16xf32>
      %mul3A_110 = arith.mulf %sub3A, %sub3A : vector<16xf32>
      %add3A_111 = arith.addf %broadcast_in_dim3A_101, %mul3A_110 : vector<16xf32>
      %broadcast_in_dim3A_112 = arith.constant 1 : i32
      %broadcast_in_dim3A_113 = vector.broadcast %broadcast_in_dim3A_112 : i32 to vector<16xi32>
      %gather3A_114 = tpu.vector_load_idx %arg10[%add3A_100, %broadcast_in_dim3A_113] : memref<5120x8xf32, #tpu.memory_space<vmem>>[vector<16xi32>, vector<16xi32>], vector<16xf32>,
      %add3A_115 = arith.constant 2560 : i32
      %add3A_116 = vector.broadcast %add3A_115 : i32 to vector<16xi32>
      %add3A_117 = arith.addi %add3A_100, %add3A_116 : vector<16xi32>
      %gather3A_118 = tpu.vector_load_idx %arg10[%add3A_117, %broadcast_in_dim3A_113] : memref<5120x8xf32, #tpu.memory_space<vmem>>[vector<16xi32>, vector<16xi32>], vector<16xf32>,
      %sub3A_119 = arith.subf %gather3A_114, %gather3A_118 : vector<16xf32>
      %mul3A_120 = arith.mulf %sub3A_119, %sub3A_119 : vector<16xf32>
      %add3A_121 = arith.addf %add3A_111, %mul3A_120 : vector<16xf32>
      %broadcast_in_dim3A_122 = arith.constant 2 : i32
      %broadcast_in_dim3A_123 = vector.broadcast %broadcast_in_dim3A_122 : i32 to vector<16xi32>
      %gather3A_124 = tpu.vector_load_idx %arg10[%add3A_100, %broadcast_in_dim3A_123] : memref<5120x8xf32, #tpu.memory_space<vmem>>[vector<16xi32>, vector<16xi32>], vector<16xf32>,
      %add3A_125 = arith.constant 2560 : i32
      %add3A_126 = vector.broadcast %add3A_125 : i32 to vector<16xi32>
      %add3A_127 = arith.addi %add3A_100, %add3A_126 : vector<16xi32>
      %gather3A_128 = tpu.vector_load_idx %arg10[%add3A_127, %broadcast_in_dim3A_123] : memref<5120x8xf32, #tpu.memory_space<vmem>>[vector<16xi32>, vector<16xi32>], vector<16xf32>,
      %sub3A_129 = arith.subf %gather3A_124, %gather3A_128 : vector<16xf32>
      %mul3A_130 = arith.mulf %sub3A_129, %sub3A_129 : vector<16xf32>
      %add3A_131 = arith.addf %add3A_121, %mul3A_130 : vector<16xf32>
      %broadcast_in_dim3A_132 = arith.constant 3 : i32
      %broadcast_in_dim3A_133 = vector.broadcast %broadcast_in_dim3A_132 : i32 to vector<16xi32>
      %gather3A_134 = tpu.vector_load_idx %arg10[%add3A_100, %broadcast_in_dim3A_133] : memref<5120x8xf32, #tpu.memory_space<vmem>>[vector<16xi32>, vector<16xi32>], vector<16xf32>,
      %add3A_135 = arith.constant 2560 : i32
      %add3A_136 = vector.broadcast %add3A_135 : i32 to vector<16xi32>
      %add3A_137 = arith.addi %add3A_100, %add3A_136 : vector<16xi32>
      %gather3A_138 = tpu.vector_load_idx %arg10[%add3A_137, %broadcast_in_dim3A_133] : memref<5120x8xf32, #tpu.memory_space<vmem>>[vector<16xi32>, vector<16xi32>], vector<16xf32>,
      %sub3A_139 = arith.subf %gather3A_134, %gather3A_138 : vector<16xf32>
      %mul3A_140 = arith.mulf %sub3A_139, %sub3A_139 : vector<16xf32>
      %add3A_141 = arith.addf %broadcast_in_dim3A_103, %mul3A_140 : vector<16xf32>
      %broadcast_in_dim3A_142 = arith.constant 4 : i32
      %broadcast_in_dim3A_143 = vector.broadcast %broadcast_in_dim3A_142 : i32 to vector<16xi32>
      %gather3A_144 = tpu.vector_load_idx %arg10[%add3A_100, %broadcast_in_dim3A_143] : memref<5120x8xf32, #tpu.memory_space<vmem>>[vector<16xi32>, vector<16xi32>], vector<16xf32>,
      %add3A_145 = arith.constant 2560 : i32
      %add3A_146 = vector.broadcast %add3A_145 : i32 to vector<16xi32>
      %add3A_147 = arith.addi %add3A_100, %add3A_146 : vector<16xi32>
      %gather3A_148 = tpu.vector_load_idx %arg10[%add3A_147, %broadcast_in_dim3A_143] : memref<5120x8xf32, #tpu.memory_space<vmem>>[vector<16xi32>, vector<16xi32>], vector<16xf32>,
      %sub3A_149 = arith.subf %gather3A_144, %gather3A_148 : vector<16xf32>
      %mul3A_150 = arith.mulf %sub3A_149, %sub3A_149 : vector<16xf32>
      %add3A_151 = arith.addf %add3A_141, %mul3A_150 : vector<16xf32>
      %broadcast_in_dim3A_152 = arith.constant 5 : i32
      %broadcast_in_dim3A_153 = vector.broadcast %broadcast_in_dim3A_152 : i32 to vector<16xi32>
      %gather3A_154 = tpu.vector_load_idx %arg10[%add3A_100, %broadcast_in_dim3A_153] : memref<5120x8xf32, #tpu.memory_space<vmem>>[vector<16xi32>, vector<16xi32>], vector<16xf32>,
      %add3A_155 = arith.constant 2560 : i32
      %add3A_156 = vector.broadcast %add3A_155 : i32 to vector<16xi32>
      %add3A_157 = arith.addi %add3A_100, %add3A_156 : vector<16xi32>
      %gather3A_158 = tpu.vector_load_idx %arg10[%add3A_157, %broadcast_in_dim3A_153] : memref<5120x8xf32, #tpu.memory_space<vmem>>[vector<16xi32>, vector<16xi32>], vector<16xf32>,
      %sub3A_159 = arith.subf %gather3A_154, %gather3A_158 : vector<16xf32>
      %mul3A_160 = arith.mulf %sub3A_159, %sub3A_159 : vector<16xf32>
      %add3A_161 = arith.addf %add3A_151, %mul3A_160 : vector<16xf32>
      %mul3A_162 = arith.constant 16 : i32
      %mul3A_163 = arith.muli %scan3A_96, %mul3A_162 : i32
      %swap3A = arith.index_cast %mul3A_163 : i32 to index
      %swap3A_164 = tpu.vector_load %arg11[%swap3A] {strides = array<i32>} : memref<2560xf32, #tpu.memory_space<vmem>>, vector<16xf32>,
      tpu.vector_store %arg11[%swap3A], %add3A_131 {strides = array<i32>} : memref<2560xf32, #tpu.memory_space<vmem>>, vector<16xf32>,
      %mul3A_165 = arith.constant 16 : i32
      %mul3A_166 = arith.muli %scan3A_96, %mul3A_165 : i32
      %swap3A_167 = arith.index_cast %mul3A_166 : i32 to index
      %swap3A_168 = tpu.vector_load %arg12[%swap3A_167] {strides = array<i32>} : memref<2560xf32, #tpu.memory_space<vmem>>, vector<16xf32>,
      tpu.vector_store %arg12[%swap3A_167], %add3A_161 {strides = array<i32>} : memref<2560xf32, #tpu.memory_space<vmem>>, vector<16xf32>,
    }
    %scan3A_40 = arith.constant 160 : i32
    "tpu.region"() ({
      %run_scoped3A = tpu.sem_alloc : memref<!tpu.dma_semaphore, #tpu.memory_space<semaphore_mem>>
      %dma_start3A_96 = tpu.memref_slice %arg4[%mul3A_34] : memref<409600xf32, #tpu.memory_space<hbm>> -> memref<2560xf32, #tpu.memory_space<hbm>>
      %dma_start3A_97 = tpu.memref_slice %arg4[%mul3A_34] : memref<409600xf32, #tpu.memory_space<hbm>> -> memref<2560xf32, #tpu.memory_space<hbm>>
      tpu.enqueue_dma source(%arg11 : memref<2560xf32, #tpu.memory_space<vmem>>) target(%dma_start3A_97 : memref<2560xf32, #tpu.memory_space<hbm>>) target_semaphore(%run_scoped3A : memref<!tpu.dma_semaphore, #tpu.memory_space<semaphore_mem>>)
      %dma_wait3A_98 = tpu.memref_slice %arg4[%mul3A_34] : memref<409600xf32, #tpu.memory_space<hbm>> -> memref<2560xf32, #tpu.memory_space<hbm>>
      %dma_wait3A_99 = tpu.memref_slice %arg4[%mul3A_34] : memref<409600xf32, #tpu.memory_space<hbm>> -> memref<2560xf32, #tpu.memory_space<hbm>>
      tpu.wait_dma2 semaphore(%run_scoped3A : memref<!tpu.dma_semaphore, #tpu.memory_space<semaphore_mem>>) src(%arg11 : memref<2560xf32, #tpu.memory_space<vmem>>) dst(%dma_wait3A_99 : memref<2560xf32, #tpu.memory_space<hbm>>)
      tpu.yield
    }) : () -> ()
    "tpu.region"() ({
      %run_scoped3A = tpu.sem_alloc : memref<!tpu.dma_semaphore, #tpu.memory_space<semaphore_mem>>
      %dma_start3A_96 = tpu.memref_slice %arg5[%mul3A_34] : memref<409600xf32, #tpu.memory_space<hbm>> -> memref<2560xf32, #tpu.memory_space<hbm>>
      %dma_start3A_97 = tpu.memref_slice %arg5[%mul3A_34] : memref<409600xf32, #tpu.memory_space<hbm>> -> memref<2560xf32, #tpu.memory_space<hbm>>
      tpu.enqueue_dma source(%arg12 : memref<2560xf32, #tpu.memory_space<vmem>>) target(%dma_start3A_97 : memref<2560xf32, #tpu.memory_space<hbm>>) target_semaphore(%run_scoped3A : memref<!tpu.dma_semaphore, #tpu.memory_space<semaphore_mem>>)
      %dma_wait3A_98 = tpu.memref_slice %arg5[%mul3A_34] : memref<409600xf32, #tpu.memory_space<hbm>> -> memref<2560xf32, #tpu.memory_space<hbm>>
      %dma_wait3A_99 = tpu.memref_slice %arg5[%mul3A_34] : memref<409600xf32, #tpu.memory_space<hbm>> -> memref<2560xf32, #tpu.memory_space<hbm>>
      tpu.wait_dma2 semaphore(%run_scoped3A : memref<!tpu.dma_semaphore, #tpu.memory_space<semaphore_mem>>) src(%arg12 : memref<2560xf32, #tpu.memory_space<vmem>>) dst(%dma_wait3A_99 : memref<2560xf32, #tpu.memory_space<hbm>>)
      tpu.yield
    }) : () -> ()
    %add3A_41 = arith.constant 1 : i32
    %add3A_42 = arith.addi %mul3A_2, %add3A_41 : i32
    %add3A_43 = arith.constant 2 : i32
    %add3A_44 = arith.addi %add3A_42, %add3A_43 : i32
    "tpu.region"() ({
      %run_scoped3A = tpu.sem_alloc : memref<!tpu.dma_semaphore, #tpu.memory_space<semaphore_mem>>
      %dma_start3A_96 = arith.constant 0 : i32
      %dma_start3A_97 = tpu.memref_slice %arg3[%add3A_44, %dma_start3A_96] : memref<160x5120xi32, #tpu.memory_space<hbm>> -> memref<1x5120xi32, #tpu.memory_space<hbm>>
      %dma_start3A_98 = tpu.memref_squeeze %dma_start3A_97 : memref<1x5120xi32, #tpu.memory_space<hbm>> -> memref<5120xi32, #tpu.memory_space<hbm>>
      %dma_start3A_99 = arith.constant 0 : i32
      %dma_start3A_100 = tpu.memref_slice %arg3[%add3A_44, %dma_start3A_99] : memref<160x5120xi32, #tpu.memory_space<hbm>> -> memref<1x5120xi32, #tpu.memory_space<hbm>>
      %dma_start3A_101 = tpu.memref_squeeze %dma_start3A_100 : memref<1x5120xi32, #tpu.memory_space<hbm>> -> memref<5120xi32, #tpu.memory_space<hbm>>
      tpu.enqueue_dma source(%dma_start3A_101 : memref<5120xi32, #tpu.memory_space<hbm>>) target(%arg8 : memref<5120xi32, #tpu.memory_space<vmem>>) target_semaphore(%run_scoped3A : memref<!tpu.dma_semaphore, #tpu.memory_space<semaphore_mem>>)
      %dma_wait3A_102 = arith.constant 0 : i32
      %dma_wait3A_103 = tpu.memref_slice %arg3[%add3A_44, %dma_wait3A_102] : memref<160x5120xi32, #tpu.memory_space<hbm>> -> memref<1x5120xi32, #tpu.memory_space<hbm>>
      %dma_wait3A_104 = tpu.memref_squeeze %dma_wait3A_103 : memref<1x5120xi32, #tpu.memory_space<hbm>> -> memref<5120xi32, #tpu.memory_space<hbm>>
      %dma_wait3A_105 = arith.constant 0 : i32
      %dma_wait3A_106 = tpu.memref_slice %arg3[%add3A_44, %dma_wait3A_105] : memref<160x5120xi32, #tpu.memory_space<hbm>> -> memref<1x5120xi32, #tpu.memory_space<hbm>>
      %dma_wait3A_107 = tpu.memref_squeeze %dma_wait3A_106 : memref<1x5120xi32, #tpu.memory_space<hbm>> -> memref<5120xi32, #tpu.memory_space<hbm>>
      tpu.wait_dma2 semaphore(%run_scoped3A : memref<!tpu.dma_semaphore, #tpu.memory_space<semaphore_mem>>) src(%dma_wait3A_107 : memref<5120xi32, #tpu.memory_space<hbm>>) dst(%arg8 : memref<5120xi32, #tpu.memory_space<vmem>>)
      tpu.yield
    }) : () -> ()
    %dma_start3A_45 = arith.constant 0 : i32
    %dma_start3A_46 = arith.constant 0 : i32
    %dma_start3A_47 = tpu.memref_slice %arg2[%dma_start3A_45, %dma_start3A_46] : memref<50000x8xf32, #tpu.memory_space<hbm>> -> memref<50000x8xf32, #tpu.memory_space<hbm>>
    tpu.enqueue_indirect_dma source(%dma_start3A_47 : memref<50000x8xf32, #tpu.memory_space<hbm>>) target(%arg10 : memref<5120x8xf32, #tpu.memory_space<vmem>>) offsets(%arg8 : memref<5120xi32, #tpu.memory_space<vmem>>) semaphore(%arg14 : memref<!tpu.dma_semaphore, #tpu.memory_space<semaphore_mem>>)
    %dma_wait3A_48 = arith.constant 0 : i32
    %dma_wait3A_49 = arith.constant 0 : i32
    %dma_wait3A_50 = tpu.memref_slice %arg2[%dma_wait3A_48, %dma_wait3A_49] : memref<50000x8xf32, #tpu.memory_space<hbm>> -> memref<50000x8xf32, #tpu.memory_space<hbm>>
    tpu.wait_indirect_dma semaphore(%arg14 : memref<!tpu.dma_semaphore, #tpu.memory_space<semaphore_mem>>) src(%dma_wait3A_50 : memref<50000x8xf32, #tpu.memory_space<hbm>>) dst(%arg9 : memref<5120x8xf32, #tpu.memory_space<vmem>>)
    %add3A_51 = arith.constant 2 : i32
    %add3A_52 = arith.addi %mul3A_2, %add3A_51 : i32
    %mul3A_53 = arith.constant 2560 : i32
    %mul3A_54 = arith.muli %add3A_52, %mul3A_53 : i32
    %scan3A_55 = arith.constant 0 : i32
    %scan3A_56 = arith.constant 0 : i32
    %scan3A_57 = arith.constant 160 : i32
    %scan3A_58 = arith.addi %scan3A_56, %scan3A_57 : i32
    %scan3A_59 = arith.constant 1 : i32
    scf.for %scan3A_96 = %scan3A_56 to %scan3A_58 step %scan3A_59  : i32 {
      %mul3A_97 = arith.constant 16 : i32
      %mul3A_98 = arith.muli %scan3A_96, %mul3A_97 : i32
      %add3A_99 = vector.broadcast %mul3A_98 : i32 to vector<16xi32>
      %add3A_100 = arith.addi %add3A_99, %iota3A : vector<16xi32>
      %broadcast_in_dim3A = arith.constant 0.000000e+00 : f32
      %broadcast_in_dim3A_101 = vector.broadcast %broadcast_in_dim3A : f32 to vector<16xf32>
      %broadcast_in_dim3A_102 = arith.constant 0.000000e+00 : f32
      %broadcast_in_dim3A_103 = vector.broadcast %broadcast_in_dim3A_102 : f32 to vector<16xf32>
      %broadcast_in_dim3A_104 = arith.constant 0 : i32
      %broadcast_in_dim3A_105 = vector.broadcast %broadcast_in_dim3A_104 : i32 to vector<16xi32>
      %gather3A = tpu.vector_load_idx %arg9[%add3A_100, %broadcast_in_dim3A_105] : memref<5120x8xf32, #tpu.memory_space<vmem>>[vector<16xi32>, vector<16xi32>], vector<16xf32>,
      %add3A_106 = arith.constant 2560 : i32
      %add3A_107 = vector.broadcast %add3A_106 : i32 to vector<16xi32>
      %add3A_108 = arith.addi %add3A_100, %add3A_107 : vector<16xi32>
      %gather3A_109 = tpu.vector_load_idx %arg9[%add3A_108, %broadcast_in_dim3A_105] : memref<5120x8xf32, #tpu.memory_space<vmem>>[vector<16xi32>, vector<16xi32>], vector<16xf32>,
      %sub3A = arith.subf %gather3A, %gather3A_109 : vector<16xf32>
      %mul3A_110 = arith.mulf %sub3A, %sub3A : vector<16xf32>
      %add3A_111 = arith.addf %broadcast_in_dim3A_101, %mul3A_110 : vector<16xf32>
      %broadcast_in_dim3A_112 = arith.constant 1 : i32
      %broadcast_in_dim3A_113 = vector.broadcast %broadcast_in_dim3A_112 : i32 to vector<16xi32>
      %gather3A_114 = tpu.vector_load_idx %arg9[%add3A_100, %broadcast_in_dim3A_113] : memref<5120x8xf32, #tpu.memory_space<vmem>>[vector<16xi32>, vector<16xi32>], vector<16xf32>,
      %add3A_115 = arith.constant 2560 : i32
      %add3A_116 = vector.broadcast %add3A_115 : i32 to vector<16xi32>
      %add3A_117 = arith.addi %add3A_100, %add3A_116 : vector<16xi32>
      %gather3A_118 = tpu.vector_load_idx %arg9[%add3A_117, %broadcast_in_dim3A_113] : memref<5120x8xf32, #tpu.memory_space<vmem>>[vector<16xi32>, vector<16xi32>], vector<16xf32>,
      %sub3A_119 = arith.subf %gather3A_114, %gather3A_118 : vector<16xf32>
      %mul3A_120 = arith.mulf %sub3A_119, %sub3A_119 : vector<16xf32>
      %add3A_121 = arith.addf %add3A_111, %mul3A_120 : vector<16xf32>
      %broadcast_in_dim3A_122 = arith.constant 2 : i32
      %broadcast_in_dim3A_123 = vector.broadcast %broadcast_in_dim3A_122 : i32 to vector<16xi32>
      %gather3A_124 = tpu.vector_load_idx %arg9[%add3A_100, %broadcast_in_dim3A_123] : memref<5120x8xf32, #tpu.memory_space<vmem>>[vector<16xi32>, vector<16xi32>], vector<16xf32>,
      %add3A_125 = arith.constant 2560 : i32
      %add3A_126 = vector.broadcast %add3A_125 : i32 to vector<16xi32>
      %add3A_127 = arith.addi %add3A_100, %add3A_126 : vector<16xi32>
      %gather3A_128 = tpu.vector_load_idx %arg9[%add3A_127, %broadcast_in_dim3A_123] : memref<5120x8xf32, #tpu.memory_space<vmem>>[vector<16xi32>, vector<16xi32>], vector<16xf32>,
      %sub3A_129 = arith.subf %gather3A_124, %gather3A_128 : vector<16xf32>
      %mul3A_130 = arith.mulf %sub3A_129, %sub3A_129 : vector<16xf32>
      %add3A_131 = arith.addf %add3A_121, %mul3A_130 : vector<16xf32>
      %broadcast_in_dim3A_132 = arith.constant 3 : i32
      %broadcast_in_dim3A_133 = vector.broadcast %broadcast_in_dim3A_132 : i32 to vector<16xi32>
      %gather3A_134 = tpu.vector_load_idx %arg9[%add3A_100, %broadcast_in_dim3A_133] : memref<5120x8xf32, #tpu.memory_space<vmem>>[vector<16xi32>, vector<16xi32>], vector<16xf32>,
      %add3A_135 = arith.constant 2560 : i32
      %add3A_136 = vector.broadcast %add3A_135 : i32 to vector<16xi32>
      %add3A_137 = arith.addi %add3A_100, %add3A_136 : vector<16xi32>
      %gather3A_138 = tpu.vector_load_idx %arg9[%add3A_137, %broadcast_in_dim3A_133] : memref<5120x8xf32, #tpu.memory_space<vmem>>[vector<16xi32>, vector<16xi32>], vector<16xf32>,
      %sub3A_139 = arith.subf %gather3A_134, %gather3A_138 : vector<16xf32>
      %mul3A_140 = arith.mulf %sub3A_139, %sub3A_139 : vector<16xf32>
      %add3A_141 = arith.addf %broadcast_in_dim3A_103, %mul3A_140 : vector<16xf32>
      %broadcast_in_dim3A_142 = arith.constant 4 : i32
      %broadcast_in_dim3A_143 = vector.broadcast %broadcast_in_dim3A_142 : i32 to vector<16xi32>
      %gather3A_144 = tpu.vector_load_idx %arg9[%add3A_100, %broadcast_in_dim3A_143] : memref<5120x8xf32, #tpu.memory_space<vmem>>[vector<16xi32>, vector<16xi32>], vector<16xf32>,
      %add3A_145 = arith.constant 2560 : i32
      %add3A_146 = vector.broadcast %add3A_145 : i32 to vector<16xi32>
      %add3A_147 = arith.addi %add3A_100, %add3A_146 : vector<16xi32>
      %gather3A_148 = tpu.vector_load_idx %arg9[%add3A_147, %broadcast_in_dim3A_143] : memref<5120x8xf32, #tpu.memory_space<vmem>>[vector<16xi32>, vector<16xi32>], vector<16xf32>,
      %sub3A_149 = arith.subf %gather3A_144, %gather3A_148 : vector<16xf32>
      %mul3A_150 = arith.mulf %sub3A_149, %sub3A_149 : vector<16xf32>
      %add3A_151 = arith.addf %add3A_141, %mul3A_150 : vector<16xf32>
      %broadcast_in_dim3A_152 = arith.constant 5 : i32
      %broadcast_in_dim3A_153 = vector.broadcast %broadcast_in_dim3A_152 : i32 to vector<16xi32>
      %gather3A_154 = tpu.vector_load_idx %arg9[%add3A_100, %broadcast_in_dim3A_153] : memref<5120x8xf32, #tpu.memory_space<vmem>>[vector<16xi32>, vector<16xi32>], vector<16xf32>,
      %add3A_155 = arith.constant 2560 : i32
      %add3A_156 = vector.broadcast %add3A_155 : i32 to vector<16xi32>
      %add3A_157 = arith.addi %add3A_100, %add3A_156 : vector<16xi32>
      %gather3A_158 = tpu.vector_load_idx %arg9[%add3A_157, %broadcast_in_dim3A_153] : memref<5120x8xf32, #tpu.memory_space<vmem>>[vector<16xi32>, vector<16xi32>], vector<16xf32>,
      %sub3A_159 = arith.subf %gather3A_154, %gather3A_158 : vector<16xf32>
      %mul3A_160 = arith.mulf %sub3A_159, %sub3A_159 : vector<16xf32>
      %add3A_161 = arith.addf %add3A_151, %mul3A_160 : vector<16xf32>
      %mul3A_162 = arith.constant 16 : i32
      %mul3A_163 = arith.muli %scan3A_96, %mul3A_162 : i32
      %swap3A = arith.index_cast %mul3A_163 : i32 to index
      %swap3A_164 = tpu.vector_load %arg11[%swap3A] {strides = array<i32>} : memref<2560xf32, #tpu.memory_space<vmem>>, vector<16xf32>,
      tpu.vector_store %arg11[%swap3A], %add3A_131 {strides = array<i32>} : memref<2560xf32, #tpu.memory_space<vmem>>, vector<16xf32>,
      %mul3A_165 = arith.constant 16 : i32
      %mul3A_166 = arith.muli %scan3A_96, %mul3A_165 : i32
      %swap3A_167 = arith.index_cast %mul3A_166 : i32 to index
      %swap3A_168 = tpu.vector_load %arg12[%swap3A_167] {strides = array<i32>} : memref<2560xf32, #tpu.memory_space<vmem>>, vector<16xf32>,
      tpu.vector_store %arg12[%swap3A_167], %add3A_161 {strides = array<i32>} : memref<2560xf32, #tpu.memory_space<vmem>>, vector<16xf32>,
    }
    %scan3A_60 = arith.constant 160 : i32
    "tpu.region"() ({
      %run_scoped3A = tpu.sem_alloc : memref<!tpu.dma_semaphore, #tpu.memory_space<semaphore_mem>>
      %dma_start3A_96 = tpu.memref_slice %arg4[%mul3A_54] : memref<409600xf32, #tpu.memory_space<hbm>> -> memref<2560xf32, #tpu.memory_space<hbm>>
      %dma_start3A_97 = tpu.memref_slice %arg4[%mul3A_54] : memref<409600xf32, #tpu.memory_space<hbm>> -> memref<2560xf32, #tpu.memory_space<hbm>>
      tpu.enqueue_dma source(%arg11 : memref<2560xf32, #tpu.memory_space<vmem>>) target(%dma_start3A_97 : memref<2560xf32, #tpu.memory_space<hbm>>) target_semaphore(%run_scoped3A : memref<!tpu.dma_semaphore, #tpu.memory_space<semaphore_mem>>)
      %dma_wait3A_98 = tpu.memref_slice %arg4[%mul3A_54] : memref<409600xf32, #tpu.memory_space<hbm>> -> memref<2560xf32, #tpu.memory_space<hbm>>
      %dma_wait3A_99 = tpu.memref_slice %arg4[%mul3A_54] : memref<409600xf32, #tpu.memory_space<hbm>> -> memref<2560xf32, #tpu.memory_space<hbm>>
      tpu.wait_dma2 semaphore(%run_scoped3A : memref<!tpu.dma_semaphore, #tpu.memory_space<semaphore_mem>>) src(%arg11 : memref<2560xf32, #tpu.memory_space<vmem>>) dst(%dma_wait3A_99 : memref<2560xf32, #tpu.memory_space<hbm>>)
      tpu.yield
    }) : () -> ()
    "tpu.region"() ({
      %run_scoped3A = tpu.sem_alloc : memref<!tpu.dma_semaphore, #tpu.memory_space<semaphore_mem>>
      %dma_start3A_96 = tpu.memref_slice %arg5[%mul3A_54] : memref<409600xf32, #tpu.memory_space<hbm>> -> memref<2560xf32, #tpu.memory_space<hbm>>
      %dma_start3A_97 = tpu.memref_slice %arg5[%mul3A_54] : memref<409600xf32, #tpu.memory_space<hbm>> -> memref<2560xf32, #tpu.memory_space<hbm>>
      tpu.enqueue_dma source(%arg12 : memref<2560xf32, #tpu.memory_space<vmem>>) target(%dma_start3A_97 : memref<2560xf32, #tpu.memory_space<hbm>>) target_semaphore(%run_scoped3A : memref<!tpu.dma_semaphore, #tpu.memory_space<semaphore_mem>>)
      %dma_wait3A_98 = tpu.memref_slice %arg5[%mul3A_54] : memref<409600xf32, #tpu.memory_space<hbm>> -> memref<2560xf32, #tpu.memory_space<hbm>>
      %dma_wait3A_99 = tpu.memref_slice %arg5[%mul3A_54] : memref<409600xf32, #tpu.memory_space<hbm>> -> memref<2560xf32, #tpu.memory_space<hbm>>
      tpu.wait_dma2 semaphore(%run_scoped3A : memref<!tpu.dma_semaphore, #tpu.memory_space<semaphore_mem>>) src(%arg12 : memref<2560xf32, #tpu.memory_space<vmem>>) dst(%dma_wait3A_99 : memref<2560xf32, #tpu.memory_space<hbm>>)
      tpu.yield
    }) : () -> ()
    %add3A_61 = arith.constant 2 : i32
    %add3A_62 = arith.addi %mul3A_2, %add3A_61 : i32
    %add3A_63 = arith.constant 2 : i32
    %add3A_64 = arith.addi %add3A_62, %add3A_63 : i32
    "tpu.region"() ({
      %run_scoped3A = tpu.sem_alloc : memref<!tpu.dma_semaphore, #tpu.memory_space<semaphore_mem>>
      %dma_start3A_96 = arith.constant 0 : i32
      %dma_start3A_97 = tpu.memref_slice %arg3[%add3A_64, %dma_start3A_96] : memref<160x5120xi32, #tpu.memory_space<hbm>> -> memref<1x5120xi32, #tpu.memory_space<hbm>>
      %dma_start3A_98 = tpu.memref_squeeze %dma_start3A_97 : memref<1x5120xi32, #tpu.memory_space<hbm>> -> memref<5120xi32, #tpu.memory_space<hbm>>
      %dma_start3A_99 = arith.constant 0 : i32
      %dma_start3A_100 = tpu.memref_slice %arg3[%add3A_64, %dma_start3A_99] : memref<160x5120xi32, #tpu.memory_space<hbm>> -> memref<1x5120xi32, #tpu.memory_space<hbm>>
      %dma_start3A_101 = tpu.memref_squeeze %dma_start3A_100 : memref<1x5120xi32, #tpu.memory_space<hbm>> -> memref<5120xi32, #tpu.memory_space<hbm>>
      tpu.enqueue_dma source(%dma_start3A_101 : memref<5120xi32, #tpu.memory_space<hbm>>) target(%arg7 : memref<5120xi32, #tpu.memory_space<vmem>>) target_semaphore(%run_scoped3A : memref<!tpu.dma_semaphore, #tpu.memory_space<semaphore_mem>>)
      %dma_wait3A_102 = arith.constant 0 : i32
      %dma_wait3A_103 = tpu.memref_slice %arg3[%add3A_64, %dma_wait3A_102] : memref<160x5120xi32, #tpu.memory_space<hbm>> -> memref<1x5120xi32, #tpu.memory_space<hbm>>
      %dma_wait3A_104 = tpu.memref_squeeze %dma_wait3A_103 : memref<1x5120xi32, #tpu.memory_space<hbm>> -> memref<5120xi32, #tpu.memory_space<hbm>>
      %dma_wait3A_105 = arith.constant 0 : i32
      %dma_wait3A_106 = tpu.memref_slice %arg3[%add3A_64, %dma_wait3A_105] : memref<160x5120xi32, #tpu.memory_space<hbm>> -> memref<1x5120xi32, #tpu.memory_space<hbm>>
      %dma_wait3A_107 = tpu.memref_squeeze %dma_wait3A_106 : memref<1x5120xi32, #tpu.memory_space<hbm>> -> memref<5120xi32, #tpu.memory_space<hbm>>
      tpu.wait_dma2 semaphore(%run_scoped3A : memref<!tpu.dma_semaphore, #tpu.memory_space<semaphore_mem>>) src(%dma_wait3A_107 : memref<5120xi32, #tpu.memory_space<hbm>>) dst(%arg7 : memref<5120xi32, #tpu.memory_space<vmem>>)
      tpu.yield
    }) : () -> ()
    %dma_start3A_65 = arith.constant 0 : i32
    %dma_start3A_66 = arith.constant 0 : i32
    %dma_start3A_67 = tpu.memref_slice %arg2[%dma_start3A_65, %dma_start3A_66] : memref<50000x8xf32, #tpu.memory_space<hbm>> -> memref<50000x8xf32, #tpu.memory_space<hbm>>
    tpu.enqueue_indirect_dma source(%dma_start3A_67 : memref<50000x8xf32, #tpu.memory_space<hbm>>) target(%arg9 : memref<5120x8xf32, #tpu.memory_space<vmem>>) offsets(%arg7 : memref<5120xi32, #tpu.memory_space<vmem>>) semaphore(%arg14 : memref<!tpu.dma_semaphore, #tpu.memory_space<semaphore_mem>>)
    %dma_wait3A_68 = arith.constant 0 : i32
    %dma_wait3A_69 = arith.constant 0 : i32
    %dma_wait3A_70 = tpu.memref_slice %arg2[%dma_wait3A_68, %dma_wait3A_69] : memref<50000x8xf32, #tpu.memory_space<hbm>> -> memref<50000x8xf32, #tpu.memory_space<hbm>>
    tpu.wait_indirect_dma semaphore(%arg14 : memref<!tpu.dma_semaphore, #tpu.memory_space<semaphore_mem>>) src(%dma_wait3A_70 : memref<50000x8xf32, #tpu.memory_space<hbm>>) dst(%arg10 : memref<5120x8xf32, #tpu.memory_space<vmem>>)
    %add3A_71 = arith.constant 3 : i32
    %add3A_72 = arith.addi %mul3A_2, %add3A_71 : i32
    %mul3A_73 = arith.constant 2560 : i32
    %mul3A_74 = arith.muli %add3A_72, %mul3A_73 : i32
    %scan3A_75 = arith.constant 0 : i32
    %scan3A_76 = arith.constant 0 : i32
    %scan3A_77 = arith.constant 160 : i32
    %scan3A_78 = arith.addi %scan3A_76, %scan3A_77 : i32
    %scan3A_79 = arith.constant 1 : i32
    scf.for %scan3A_96 = %scan3A_76 to %scan3A_78 step %scan3A_79  : i32 {
      %mul3A_97 = arith.constant 16 : i32
      %mul3A_98 = arith.muli %scan3A_96, %mul3A_97 : i32
      %add3A_99 = vector.broadcast %mul3A_98 : i32 to vector<16xi32>
      %add3A_100 = arith.addi %add3A_99, %iota3A : vector<16xi32>
      %broadcast_in_dim3A = arith.constant 0.000000e+00 : f32
      %broadcast_in_dim3A_101 = vector.broadcast %broadcast_in_dim3A : f32 to vector<16xf32>
      %broadcast_in_dim3A_102 = arith.constant 0.000000e+00 : f32
      %broadcast_in_dim3A_103 = vector.broadcast %broadcast_in_dim3A_102 : f32 to vector<16xf32>
      %broadcast_in_dim3A_104 = arith.constant 0 : i32
      %broadcast_in_dim3A_105 = vector.broadcast %broadcast_in_dim3A_104 : i32 to vector<16xi32>
      %gather3A = tpu.vector_load_idx %arg10[%add3A_100, %broadcast_in_dim3A_105] : memref<5120x8xf32, #tpu.memory_space<vmem>>[vector<16xi32>, vector<16xi32>], vector<16xf32>,
      %add3A_106 = arith.constant 2560 : i32
      %add3A_107 = vector.broadcast %add3A_106 : i32 to vector<16xi32>
      %add3A_108 = arith.addi %add3A_100, %add3A_107 : vector<16xi32>
      %gather3A_109 = tpu.vector_load_idx %arg10[%add3A_108, %broadcast_in_dim3A_105] : memref<5120x8xf32, #tpu.memory_space<vmem>>[vector<16xi32>, vector<16xi32>], vector<16xf32>,
      %sub3A = arith.subf %gather3A, %gather3A_109 : vector<16xf32>
      %mul3A_110 = arith.mulf %sub3A, %sub3A : vector<16xf32>
      %add3A_111 = arith.addf %broadcast_in_dim3A_101, %mul3A_110 : vector<16xf32>
      %broadcast_in_dim3A_112 = arith.constant 1 : i32
      %broadcast_in_dim3A_113 = vector.broadcast %broadcast_in_dim3A_112 : i32 to vector<16xi32>
      %gather3A_114 = tpu.vector_load_idx %arg10[%add3A_100, %broadcast_in_dim3A_113] : memref<5120x8xf32, #tpu.memory_space<vmem>>[vector<16xi32>, vector<16xi32>], vector<16xf32>,
      %add3A_115 = arith.constant 2560 : i32
      %add3A_116 = vector.broadcast %add3A_115 : i32 to vector<16xi32>
      %add3A_117 = arith.addi %add3A_100, %add3A_116 : vector<16xi32>
      %gather3A_118 = tpu.vector_load_idx %arg10[%add3A_117, %broadcast_in_dim3A_113] : memref<5120x8xf32, #tpu.memory_space<vmem>>[vector<16xi32>, vector<16xi32>], vector<16xf32>,
      %sub3A_119 = arith.subf %gather3A_114, %gather3A_118 : vector<16xf32>
      %mul3A_120 = arith.mulf %sub3A_119, %sub3A_119 : vector<16xf32>
      %add3A_121 = arith.addf %add3A_111, %mul3A_120 : vector<16xf32>
      %broadcast_in_dim3A_122 = arith.constant 2 : i32
      %broadcast_in_dim3A_123 = vector.broadcast %broadcast_in_dim3A_122 : i32 to vector<16xi32>
      %gather3A_124 = tpu.vector_load_idx %arg10[%add3A_100, %broadcast_in_dim3A_123] : memref<5120x8xf32, #tpu.memory_space<vmem>>[vector<16xi32>, vector<16xi32>], vector<16xf32>,
      %add3A_125 = arith.constant 2560 : i32
      %add3A_126 = vector.broadcast %add3A_125 : i32 to vector<16xi32>
      %add3A_127 = arith.addi %add3A_100, %add3A_126 : vector<16xi32>
      %gather3A_128 = tpu.vector_load_idx %arg10[%add3A_127, %broadcast_in_dim3A_123] : memref<5120x8xf32, #tpu.memory_space<vmem>>[vector<16xi32>, vector<16xi32>], vector<16xf32>,
      %sub3A_129 = arith.subf %gather3A_124, %gather3A_128 : vector<16xf32>
      %mul3A_130 = arith.mulf %sub3A_129, %sub3A_129 : vector<16xf32>
      %add3A_131 = arith.addf %add3A_121, %mul3A_130 : vector<16xf32>
      %broadcast_in_dim3A_132 = arith.constant 3 : i32
      %broadcast_in_dim3A_133 = vector.broadcast %broadcast_in_dim3A_132 : i32 to vector<16xi32>
      %gather3A_134 = tpu.vector_load_idx %arg10[%add3A_100, %broadcast_in_dim3A_133] : memref<5120x8xf32, #tpu.memory_space<vmem>>[vector<16xi32>, vector<16xi32>], vector<16xf32>,
      %add3A_135 = arith.constant 2560 : i32
      %add3A_136 = vector.broadcast %add3A_135 : i32 to vector<16xi32>
      %add3A_137 = arith.addi %add3A_100, %add3A_136 : vector<16xi32>
      %gather3A_138 = tpu.vector_load_idx %arg10[%add3A_137, %broadcast_in_dim3A_133] : memref<5120x8xf32, #tpu.memory_space<vmem>>[vector<16xi32>, vector<16xi32>], vector<16xf32>,
      %sub3A_139 = arith.subf %gather3A_134, %gather3A_138 : vector<16xf32>
      %mul3A_140 = arith.mulf %sub3A_139, %sub3A_139 : vector<16xf32>
      %add3A_141 = arith.addf %broadcast_in_dim3A_103, %mul3A_140 : vector<16xf32>
      %broadcast_in_dim3A_142 = arith.constant 4 : i32
      %broadcast_in_dim3A_143 = vector.broadcast %broadcast_in_dim3A_142 : i32 to vector<16xi32>
      %gather3A_144 = tpu.vector_load_idx %arg10[%add3A_100, %broadcast_in_dim3A_143] : memref<5120x8xf32, #tpu.memory_space<vmem>>[vector<16xi32>, vector<16xi32>], vector<16xf32>,
      %add3A_145 = arith.constant 2560 : i32
      %add3A_146 = vector.broadcast %add3A_145 : i32 to vector<16xi32>
      %add3A_147 = arith.addi %add3A_100, %add3A_146 : vector<16xi32>
      %gather3A_148 = tpu.vector_load_idx %arg10[%add3A_147, %broadcast_in_dim3A_143] : memref<5120x8xf32, #tpu.memory_space<vmem>>[vector<16xi32>, vector<16xi32>], vector<16xf32>,
      %sub3A_149 = arith.subf %gather3A_144, %gather3A_148 : vector<16xf32>
      %mul3A_150 = arith.mulf %sub3A_149, %sub3A_149 : vector<16xf32>
      %add3A_151 = arith.addf %add3A_141, %mul3A_150 : vector<16xf32>
      %broadcast_in_dim3A_152 = arith.constant 5 : i32
      %broadcast_in_dim3A_153 = vector.broadcast %broadcast_in_dim3A_152 : i32 to vector<16xi32>
      %gather3A_154 = tpu.vector_load_idx %arg10[%add3A_100, %broadcast_in_dim3A_153] : memref<5120x8xf32, #tpu.memory_space<vmem>>[vector<16xi32>, vector<16xi32>], vector<16xf32>,
      %add3A_155 = arith.constant 2560 : i32
      %add3A_156 = vector.broadcast %add3A_155 : i32 to vector<16xi32>
      %add3A_157 = arith.addi %add3A_100, %add3A_156 : vector<16xi32>
      %gather3A_158 = tpu.vector_load_idx %arg10[%add3A_157, %broadcast_in_dim3A_153] : memref<5120x8xf32, #tpu.memory_space<vmem>>[vector<16xi32>, vector<16xi32>], vector<16xf32>,
      %sub3A_159 = arith.subf %gather3A_154, %gather3A_158 : vector<16xf32>
      %mul3A_160 = arith.mulf %sub3A_159, %sub3A_159 : vector<16xf32>
      %add3A_161 = arith.addf %add3A_151, %mul3A_160 : vector<16xf32>
      %mul3A_162 = arith.constant 16 : i32
      %mul3A_163 = arith.muli %scan3A_96, %mul3A_162 : i32
      %swap3A = arith.index_cast %mul3A_163 : i32 to index
      %swap3A_164 = tpu.vector_load %arg11[%swap3A] {strides = array<i32>} : memref<2560xf32, #tpu.memory_space<vmem>>, vector<16xf32>,
      tpu.vector_store %arg11[%swap3A], %add3A_131 {strides = array<i32>} : memref<2560xf32, #tpu.memory_space<vmem>>, vector<16xf32>,
      %mul3A_165 = arith.constant 16 : i32
      %mul3A_166 = arith.muli %scan3A_96, %mul3A_165 : i32
      %swap3A_167 = arith.index_cast %mul3A_166 : i32 to index
      %swap3A_168 = tpu.vector_load %arg12[%swap3A_167] {strides = array<i32>} : memref<2560xf32, #tpu.memory_space<vmem>>, vector<16xf32>,
      tpu.vector_store %arg12[%swap3A_167], %add3A_161 {strides = array<i32>} : memref<2560xf32, #tpu.memory_space<vmem>>, vector<16xf32>,
    }
    %scan3A_80 = arith.constant 160 : i32
    "tpu.region"() ({
      %run_scoped3A = tpu.sem_alloc : memref<!tpu.dma_semaphore, #tpu.memory_space<semaphore_mem>>
      %dma_start3A_96 = tpu.memref_slice %arg4[%mul3A_74] : memref<409600xf32, #tpu.memory_space<hbm>> -> memref<2560xf32, #tpu.memory_space<hbm>>
      %dma_start3A_97 = tpu.memref_slice %arg4[%mul3A_74] : memref<409600xf32, #tpu.memory_space<hbm>> -> memref<2560xf32, #tpu.memory_space<hbm>>
      tpu.enqueue_dma source(%arg11 : memref<2560xf32, #tpu.memory_space<vmem>>) target(%dma_start3A_97 : memref<2560xf32, #tpu.memory_space<hbm>>) target_semaphore(%run_scoped3A : memref<!tpu.dma_semaphore, #tpu.memory_space<semaphore_mem>>)
      %dma_wait3A_98 = tpu.memref_slice %arg4[%mul3A_74] : memref<409600xf32, #tpu.memory_space<hbm>> -> memref<2560xf32, #tpu.memory_space<hbm>>
      %dma_wait3A_99 = tpu.memref_slice %arg4[%mul3A_74] : memref<409600xf32, #tpu.memory_space<hbm>> -> memref<2560xf32, #tpu.memory_space<hbm>>
      tpu.wait_dma2 semaphore(%run_scoped3A : memref<!tpu.dma_semaphore, #tpu.memory_space<semaphore_mem>>) src(%arg11 : memref<2560xf32, #tpu.memory_space<vmem>>) dst(%dma_wait3A_99 : memref<2560xf32, #tpu.memory_space<hbm>>)
      tpu.yield
    }) : () -> ()
    "tpu.region"() ({
      %run_scoped3A = tpu.sem_alloc : memref<!tpu.dma_semaphore, #tpu.memory_space<semaphore_mem>>
      %dma_start3A_96 = tpu.memref_slice %arg5[%mul3A_74] : memref<409600xf32, #tpu.memory_space<hbm>> -> memref<2560xf32, #tpu.memory_space<hbm>>
      %dma_start3A_97 = tpu.memref_slice %arg5[%mul3A_74] : memref<409600xf32, #tpu.memory_space<hbm>> -> memref<2560xf32, #tpu.memory_space<hbm>>
      tpu.enqueue_dma source(%arg12 : memref<2560xf32, #tpu.memory_space<vmem>>) target(%dma_start3A_97 : memref<2560xf32, #tpu.memory_space<hbm>>) target_semaphore(%run_scoped3A : memref<!tpu.dma_semaphore, #tpu.memory_space<semaphore_mem>>)
      %dma_wait3A_98 = tpu.memref_slice %arg5[%mul3A_74] : memref<409600xf32, #tpu.memory_space<hbm>> -> memref<2560xf32, #tpu.memory_space<hbm>>
      %dma_wait3A_99 = tpu.memref_slice %arg5[%mul3A_74] : memref<409600xf32, #tpu.memory_space<hbm>> -> memref<2560xf32, #tpu.memory_space<hbm>>
      tpu.wait_dma2 semaphore(%run_scoped3A : memref<!tpu.dma_semaphore, #tpu.memory_space<semaphore_mem>>) src(%arg12 : memref<2560xf32, #tpu.memory_space<vmem>>) dst(%dma_wait3A_99 : memref<2560xf32, #tpu.memory_space<hbm>>)
      tpu.yield
    }) : () -> ()
    %dma_wait3A_81 = arith.constant 0 : i32
    %dma_wait3A_82 = arith.constant 0 : i32
    %dma_wait3A_83 = tpu.memref_slice %arg2[%dma_wait3A_81, %dma_wait3A_82] : memref<50000x8xf32, #tpu.memory_space<hbm>> -> memref<50000x8xf32, #tpu.memory_space<hbm>>
    tpu.wait_indirect_dma semaphore(%arg14 : memref<!tpu.dma_semaphore, #tpu.memory_space<semaphore_mem>>) src(%dma_wait3A_83 : memref<50000x8xf32, #tpu.memory_space<hbm>>) dst(%arg9 : memref<5120x8xf32, #tpu.memory_space<vmem>>)
    %add3A_84 = arith.constant 4 : i32
    %add3A_85 = arith.addi %mul3A_2, %add3A_84 : i32
    %mul3A_86 = arith.constant 2560 : i32
    %mul3A_87 = arith.muli %add3A_85, %mul3A_86 : i32
    %scan3A_88 = arith.constant 0 : i32
    %scan3A_89 = arith.constant 0 : i32
    %scan3A_90 = arith.constant 160 : i32
    %scan3A_91 = arith.addi %scan3A_89, %scan3A_90 : i32
    %scan3A_92 = arith.constant 1 : i32
    scf.for %scan3A_96 = %scan3A_89 to %scan3A_91 step %scan3A_92  : i32 {
      %mul3A_97 = arith.constant 16 : i32
      %mul3A_98 = arith.muli %scan3A_96, %mul3A_97 : i32
      %add3A_99 = vector.broadcast %mul3A_98 : i32 to vector<16xi32>
      %add3A_100 = arith.addi %add3A_99, %iota3A : vector<16xi32>
      %broadcast_in_dim3A = arith.constant 0.000000e+00 : f32
      %broadcast_in_dim3A_101 = vector.broadcast %broadcast_in_dim3A : f32 to vector<16xf32>
      %broadcast_in_dim3A_102 = arith.constant 0.000000e+00 : f32
      %broadcast_in_dim3A_103 = vector.broadcast %broadcast_in_dim3A_102 : f32 to vector<16xf32>
      %broadcast_in_dim3A_104 = arith.constant 0 : i32
      %broadcast_in_dim3A_105 = vector.broadcast %broadcast_in_dim3A_104 : i32 to vector<16xi32>
      %gather3A = tpu.vector_load_idx %arg9[%add3A_100, %broadcast_in_dim3A_105] : memref<5120x8xf32, #tpu.memory_space<vmem>>[vector<16xi32>, vector<16xi32>], vector<16xf32>,
      %add3A_106 = arith.constant 2560 : i32
      %add3A_107 = vector.broadcast %add3A_106 : i32 to vector<16xi32>
      %add3A_108 = arith.addi %add3A_100, %add3A_107 : vector<16xi32>
      %gather3A_109 = tpu.vector_load_idx %arg9[%add3A_108, %broadcast_in_dim3A_105] : memref<5120x8xf32, #tpu.memory_space<vmem>>[vector<16xi32>, vector<16xi32>], vector<16xf32>,
      %sub3A = arith.subf %gather3A, %gather3A_109 : vector<16xf32>
      %mul3A_110 = arith.mulf %sub3A, %sub3A : vector<16xf32>
      %add3A_111 = arith.addf %broadcast_in_dim3A_101, %mul3A_110 : vector<16xf32>
      %broadcast_in_dim3A_112 = arith.constant 1 : i32
      %broadcast_in_dim3A_113 = vector.broadcast %broadcast_in_dim3A_112 : i32 to vector<16xi32>
      %gather3A_114 = tpu.vector_load_idx %arg9[%add3A_100, %broadcast_in_dim3A_113] : memref<5120x8xf32, #tpu.memory_space<vmem>>[vector<16xi32>, vector<16xi32>], vector<16xf32>,
      %add3A_115 = arith.constant 2560 : i32
      %add3A_116 = vector.broadcast %add3A_115 : i32 to vector<16xi32>
      %add3A_117 = arith.addi %add3A_100, %add3A_116 : vector<16xi32>
      %gather3A_118 = tpu.vector_load_idx %arg9[%add3A_117, %broadcast_in_dim3A_113] : memref<5120x8xf32, #tpu.memory_space<vmem>>[vector<16xi32>, vector<16xi32>], vector<16xf32>,
      %sub3A_119 = arith.subf %gather3A_114, %gather3A_118 : vector<16xf32>
      %mul3A_120 = arith.mulf %sub3A_119, %sub3A_119 : vector<16xf32>
      %add3A_121 = arith.addf %add3A_111, %mul3A_120 : vector<16xf32>
      %broadcast_in_dim3A_122 = arith.constant 2 : i32
      %broadcast_in_dim3A_123 = vector.broadcast %broadcast_in_dim3A_122 : i32 to vector<16xi32>
      %gather3A_124 = tpu.vector_load_idx %arg9[%add3A_100, %broadcast_in_dim3A_123] : memref<5120x8xf32, #tpu.memory_space<vmem>>[vector<16xi32>, vector<16xi32>], vector<16xf32>,
      %add3A_125 = arith.constant 2560 : i32
      %add3A_126 = vector.broadcast %add3A_125 : i32 to vector<16xi32>
      %add3A_127 = arith.addi %add3A_100, %add3A_126 : vector<16xi32>
      %gather3A_128 = tpu.vector_load_idx %arg9[%add3A_127, %broadcast_in_dim3A_123] : memref<5120x8xf32, #tpu.memory_space<vmem>>[vector<16xi32>, vector<16xi32>], vector<16xf32>,
      %sub3A_129 = arith.subf %gather3A_124, %gather3A_128 : vector<16xf32>
      %mul3A_130 = arith.mulf %sub3A_129, %sub3A_129 : vector<16xf32>
      %add3A_131 = arith.addf %add3A_121, %mul3A_130 : vector<16xf32>
      %broadcast_in_dim3A_132 = arith.constant 3 : i32
      %broadcast_in_dim3A_133 = vector.broadcast %broadcast_in_dim3A_132 : i32 to vector<16xi32>
      %gather3A_134 = tpu.vector_load_idx %arg9[%add3A_100, %broadcast_in_dim3A_133] : memref<5120x8xf32, #tpu.memory_space<vmem>>[vector<16xi32>, vector<16xi32>], vector<16xf32>,
      %add3A_135 = arith.constant 2560 : i32
      %add3A_136 = vector.broadcast %add3A_135 : i32 to vector<16xi32>
      %add3A_137 = arith.addi %add3A_100, %add3A_136 : vector<16xi32>
      %gather3A_138 = tpu.vector_load_idx %arg9[%add3A_137, %broadcast_in_dim3A_133] : memref<5120x8xf32, #tpu.memory_space<vmem>>[vector<16xi32>, vector<16xi32>], vector<16xf32>,
      %sub3A_139 = arith.subf %gather3A_134, %gather3A_138 : vector<16xf32>
      %mul3A_140 = arith.mulf %sub3A_139, %sub3A_139 : vector<16xf32>
      %add3A_141 = arith.addf %broadcast_in_dim3A_103, %mul3A_140 : vector<16xf32>
      %broadcast_in_dim3A_142 = arith.constant 4 : i32
      %broadcast_in_dim3A_143 = vector.broadcast %broadcast_in_dim3A_142 : i32 to vector<16xi32>
      %gather3A_144 = tpu.vector_load_idx %arg9[%add3A_100, %broadcast_in_dim3A_143] : memref<5120x8xf32, #tpu.memory_space<vmem>>[vector<16xi32>, vector<16xi32>], vector<16xf32>,
      %add3A_145 = arith.constant 2560 : i32
      %add3A_146 = vector.broadcast %add3A_145 : i32 to vector<16xi32>
      %add3A_147 = arith.addi %add3A_100, %add3A_146 : vector<16xi32>
      %gather3A_148 = tpu.vector_load_idx %arg9[%add3A_147, %broadcast_in_dim3A_143] : memref<5120x8xf32, #tpu.memory_space<vmem>>[vector<16xi32>, vector<16xi32>], vector<16xf32>,
      %sub3A_149 = arith.subf %gather3A_144, %gather3A_148 : vector<16xf32>
      %mul3A_150 = arith.mulf %sub3A_149, %sub3A_149 : vector<16xf32>
      %add3A_151 = arith.addf %add3A_141, %mul3A_150 : vector<16xf32>
      %broadcast_in_dim3A_152 = arith.constant 5 : i32
      %broadcast_in_dim3A_153 = vector.broadcast %broadcast_in_dim3A_152 : i32 to vector<16xi32>
      %gather3A_154 = tpu.vector_load_idx %arg9[%add3A_100, %broadcast_in_dim3A_153] : memref<5120x8xf32, #tpu.memory_space<vmem>>[vector<16xi32>, vector<16xi32>], vector<16xf32>,
      %add3A_155 = arith.constant 2560 : i32
      %add3A_156 = vector.broadcast %add3A_155 : i32 to vector<16xi32>
      %add3A_157 = arith.addi %add3A_100, %add3A_156 : vector<16xi32>
      %gather3A_158 = tpu.vector_load_idx %arg9[%add3A_157, %broadcast_in_dim3A_153] : memref<5120x8xf32, #tpu.memory_space<vmem>>[vector<16xi32>, vector<16xi32>], vector<16xf32>,
      %sub3A_159 = arith.subf %gather3A_154, %gather3A_158 : vector<16xf32>
      %mul3A_160 = arith.mulf %sub3A_159, %sub3A_159 : vector<16xf32>
      %add3A_161 = arith.addf %add3A_151, %mul3A_160 : vector<16xf32>
      %mul3A_162 = arith.constant 16 : i32
      %mul3A_163 = arith.muli %scan3A_96, %mul3A_162 : i32
      %swap3A = arith.index_cast %mul3A_163 : i32 to index
      %swap3A_164 = tpu.vector_load %arg11[%swap3A] {strides = array<i32>} : memref<2560xf32, #tpu.memory_space<vmem>>, vector<16xf32>,
      tpu.vector_store %arg11[%swap3A], %add3A_131 {strides = array<i32>} : memref<2560xf32, #tpu.memory_space<vmem>>, vector<16xf32>,
      %mul3A_165 = arith.constant 16 : i32
      %mul3A_166 = arith.muli %scan3A_96, %mul3A_165 : i32
      %swap3A_167 = arith.index_cast %mul3A_166 : i32 to index
      %swap3A_168 = tpu.vector_load %arg12[%swap3A_167] {strides = array<i32>} : memref<2560xf32, #tpu.memory_space<vmem>>, vector<16xf32>,
      tpu.vector_store %arg12[%swap3A_167], %add3A_161 {strides = array<i32>} : memref<2560xf32, #tpu.memory_space<vmem>>, vector<16xf32>,
    }
    %scan3A_93 = arith.constant 160 : i32
    "tpu.region"() ({
      %run_scoped3A = tpu.sem_alloc : memref<!tpu.dma_semaphore, #tpu.memory_space<semaphore_mem>>
      %dma_start3A_96 = tpu.memref_slice %arg4[%mul3A_87] : memref<409600xf32, #tpu.memory_space<hbm>> -> memref<2560xf32, #tpu.memory_space<hbm>>
      %dma_start3A_97 = tpu.memref_slice %arg4[%mul3A_87] : memref<409600xf32, #tpu.memory_space<hbm>> -> memref<2560xf32, #tpu.memory_space<hbm>>
      tpu.enqueue_dma source(%arg11 : memref<2560xf32, #tpu.memory_space<vmem>>) target(%dma_start3A_97 : memref<2560xf32, #tpu.memory_space<hbm>>) target_semaphore(%run_scoped3A : memref<!tpu.dma_semaphore, #tpu.memory_space<semaphore_mem>>)
      %dma_wait3A_98 = tpu.memref_slice %arg4[%mul3A_87] : memref<409600xf32, #tpu.memory_space<hbm>> -> memref<2560xf32, #tpu.memory_space<hbm>>
      %dma_wait3A_99 = tpu.memref_slice %arg4[%mul3A_87] : memref<409600xf32, #tpu.memory_space<hbm>> -> memref<2560xf32, #tpu.memory_space<hbm>>
      tpu.wait_dma2 semaphore(%run_scoped3A : memref<!tpu.dma_semaphore, #tpu.memory_space<semaphore_mem>>) src(%arg11 : memref<2560xf32, #tpu.memory_space<vmem>>) dst(%dma_wait3A_99 : memref<2560xf32, #tpu.memory_space<hbm>>)
      tpu.yield
    }) : () -> ()
    "tpu.region"() ({
      %run_scoped3A = tpu.sem_alloc : memref<!tpu.dma_semaphore, #tpu.memory_space<semaphore_mem>>
      %dma_start3A_96 = tpu.memref_slice %arg5[%mul3A_87] : memref<409600xf32, #tpu.memory_space<hbm>> -> memref<2560xf32, #tpu.memory_space<hbm>>
      %dma_start3A_97 = tpu.memref_slice %arg5[%mul3A_87] : memref<409600xf32, #tpu.memory_space<hbm>> -> memref<2560xf32, #tpu.memory_space<hbm>>
      tpu.enqueue_dma source(%arg12 : memref<2560xf32, #tpu.memory_space<vmem>>) target(%dma_start3A_97 : memref<2560xf32, #tpu.memory_space<hbm>>) target_semaphore(%run_scoped3A : memref<!tpu.dma_semaphore, #tpu.memory_space<semaphore_mem>>)
      %dma_wait3A_98 = tpu.memref_slice %arg5[%mul3A_87] : memref<409600xf32, #tpu.memory_space<hbm>> -> memref<2560xf32, #tpu.memory_space<hbm>>
      %dma_wait3A_99 = tpu.memref_slice %arg5[%mul3A_87] : memref<409600xf32, #tpu.memory_space<hbm>> -> memref<2560xf32, #tpu.memory_space<hbm>>
      tpu.wait_dma2 semaphore(%run_scoped3A : memref<!tpu.dma_semaphore, #tpu.memory_space<semaphore_mem>>) src(%arg12 : memref<2560xf32, #tpu.memory_space<vmem>>) dst(%dma_wait3A_99 : memref<2560xf32, #tpu.memory_space<hbm>>)
      tpu.yield
    }) : () -> ()
    %lt3A = arith.constant 25 : i32
    %lt3A_94 = arith.cmpi slt, %add3A, %lt3A : i32
    %convert_element_type3A = arith.extui %lt3A_94 : i1 to i32
    %cond3A = arith.constant 0 : i32
    %cond3A_95 = arith.cmpi ne, %convert_element_type3A, %cond3A : i32
    scf.if %cond3A_95 {
      %mul3A_96 = arith.constant 2000 : i32
      %mul3A_97 = arith.muli %add3A, %mul3A_96 : i32
      "tpu.region"() ({
        %run_scoped3A = tpu.sem_alloc : memref<!tpu.dma_semaphore, #tpu.memory_space<semaphore_mem>>
        %dma_start3A_104 = arith.constant 0 : i32
        %dma_start3A_105 = arith.constant 0 : i32
        %dma_start3A_106 = tpu.memref_slice %arg9[%dma_start3A_104, %dma_start3A_105] : memref<5120x8xf32, #tpu.memory_space<vmem>> -> memref<2000x8xf32, #tpu.memory_space<vmem>>
        %dma_start3A_107 = arith.constant 0 : i32
        %dma_start3A_108 = tpu.memref_slice %arg2[%mul3A_97, %dma_start3A_107] : memref<50000x8xf32, #tpu.memory_space<hbm>> -> memref<2000x8xf32, #tpu.memory_space<hbm>>
        %dma_start3A_109 = arith.constant 0 : i32
        %dma_start3A_110 = arith.constant 0 : i32
        %dma_start3A_111 = tpu.memref_slice %arg9[%dma_start3A_109, %dma_start3A_110] : memref<5120x8xf32, #tpu.memory_space<vmem>> -> memref<2000x8xf32, #tpu.memory_space<vmem>>
        %dma_start3A_112 = arith.constant 0 : i32
        %dma_start3A_113 = tpu.memref_slice %arg2[%mul3A_97, %dma_start3A_112] : memref<50000x8xf32, #tpu.memory_space<hbm>> -> memref<2000x8xf32, #tpu.memory_space<hbm>>
        tpu.enqueue_dma source(%dma_start3A_113 : memref<2000x8xf32, #tpu.memory_space<hbm>>) target(%dma_start3A_111 : memref<2000x8xf32, #tpu.memory_space<vmem>>) target_semaphore(%run_scoped3A : memref<!tpu.dma_semaphore, #tpu.memory_space<semaphore_mem>>)
        %dma_wait3A_114 = arith.constant 0 : i32
        %dma_wait3A_115 = arith.constant 0 : i32
        %dma_wait3A_116 = tpu.memref_slice %arg9[%dma_wait3A_114, %dma_wait3A_115] : memref<5120x8xf32, #tpu.memory_space<vmem>> -> memref<2000x8xf32, #tpu.memory_space<vmem>>
        %dma_wait3A_117 = arith.constant 0 : i32
        %dma_wait3A_118 = tpu.memref_slice %arg2[%mul3A_97, %dma_wait3A_117] : memref<50000x8xf32, #tpu.memory_space<hbm>> -> memref<2000x8xf32, #tpu.memory_space<hbm>>
        %dma_wait3A_119 = arith.constant 0 : i32
        %dma_wait3A_120 = arith.constant 0 : i32
        %dma_wait3A_121 = tpu.memref_slice %arg9[%dma_wait3A_119, %dma_wait3A_120] : memref<5120x8xf32, #tpu.memory_space<vmem>> -> memref<2000x8xf32, #tpu.memory_space<vmem>>
        %dma_wait3A_122 = arith.constant 0 : i32
        %dma_wait3A_123 = tpu.memref_slice %arg2[%mul3A_97, %dma_wait3A_122] : memref<50000x8xf32, #tpu.memory_space<hbm>> -> memref<2000x8xf32, #tpu.memory_space<hbm>>
        tpu.wait_dma2 semaphore(%run_scoped3A : memref<!tpu.dma_semaphore, #tpu.memory_space<semaphore_mem>>) src(%dma_wait3A_123 : memref<2000x8xf32, #tpu.memory_space<hbm>>) dst(%dma_wait3A_121 : memref<2000x8xf32, #tpu.memory_space<vmem>>)
        tpu.yield
      }) : () -> ()
      %scan3A_98 = arith.constant 0 : i32
      %scan3A_99 = arith.constant 0 : i32
      %scan3A_100 = arith.constant 125 : i32
      %scan3A_101 = arith.addi %scan3A_99, %scan3A_100 : i32
      %scan3A_102 = arith.constant 1 : i32
      scf.for %scan3A_104 = %scan3A_99 to %scan3A_101 step %scan3A_102  : i32 {
        %mul3A_105 = arith.constant 16 : i32
        %mul3A_106 = arith.muli %scan3A_104, %mul3A_105 : i32
        %add3A_107 = vector.broadcast %mul3A_106 : i32 to vector<16xi32>
        %add3A_108 = arith.addi %add3A_107, %iota3A : vector<16xi32>
        %broadcast_in_dim3A = arith.constant 0.000000e+00 : f32
        %broadcast_in_dim3A_109 = vector.broadcast %broadcast_in_dim3A : f32 to vector<16xf32>
        %broadcast_in_dim3A_110 = arith.constant 0 : i32
        %broadcast_in_dim3A_111 = vector.broadcast %broadcast_in_dim3A_110 : i32 to vector<16xi32>
        %broadcast_in_dim3A_112 = arith.constant 3 : i32
        %broadcast_in_dim3A_113 = vector.broadcast %broadcast_in_dim3A_112 : i32 to vector<16xi32>
        %gather3A = tpu.vector_load_idx %arg9[%add3A_108, %broadcast_in_dim3A_111] : memref<5120x8xf32, #tpu.memory_space<vmem>>[vector<16xi32>, vector<16xi32>], vector<16xf32>,
        %gather3A_114 = tpu.vector_load_idx %arg9[%add3A_108, %broadcast_in_dim3A_113] : memref<5120x8xf32, #tpu.memory_space<vmem>>[vector<16xi32>, vector<16xi32>], vector<16xf32>,
        %sub3A = arith.subf %gather3A, %gather3A_114 : vector<16xf32>
        %mul3A_115 = arith.mulf %sub3A, %sub3A : vector<16xf32>
        %add3A_116 = arith.addf %broadcast_in_dim3A_109, %mul3A_115 : vector<16xf32>
        %broadcast_in_dim3A_117 = arith.constant 1 : i32
        %broadcast_in_dim3A_118 = vector.broadcast %broadcast_in_dim3A_117 : i32 to vector<16xi32>
        %broadcast_in_dim3A_119 = arith.constant 4 : i32
        %broadcast_in_dim3A_120 = vector.broadcast %broadcast_in_dim3A_119 : i32 to vector<16xi32>
        %gather3A_121 = tpu.vector_load_idx %arg9[%add3A_108, %broadcast_in_dim3A_118] : memref<5120x8xf32, #tpu.memory_space<vmem>>[vector<16xi32>, vector<16xi32>], vector<16xf32>,
        %gather3A_122 = tpu.vector_load_idx %arg9[%add3A_108, %broadcast_in_dim3A_120] : memref<5120x8xf32, #tpu.memory_space<vmem>>[vector<16xi32>, vector<16xi32>], vector<16xf32>,
        %sub3A_123 = arith.subf %gather3A_121, %gather3A_122 : vector<16xf32>
        %mul3A_124 = arith.mulf %sub3A_123, %sub3A_123 : vector<16xf32>
        %add3A_125 = arith.addf %add3A_116, %mul3A_124 : vector<16xf32>
        %broadcast_in_dim3A_126 = arith.constant 2 : i32
        %broadcast_in_dim3A_127 = vector.broadcast %broadcast_in_dim3A_126 : i32 to vector<16xi32>
        %broadcast_in_dim3A_128 = arith.constant 5 : i32
        %broadcast_in_dim3A_129 = vector.broadcast %broadcast_in_dim3A_128 : i32 to vector<16xi32>
        %gather3A_130 = tpu.vector_load_idx %arg9[%add3A_108, %broadcast_in_dim3A_127] : memref<5120x8xf32, #tpu.memory_space<vmem>>[vector<16xi32>, vector<16xi32>], vector<16xf32>,
        %gather3A_131 = tpu.vector_load_idx %arg9[%add3A_108, %broadcast_in_dim3A_129] : memref<5120x8xf32, #tpu.memory_space<vmem>>[vector<16xi32>, vector<16xi32>], vector<16xf32>,
        %sub3A_132 = arith.subf %gather3A_130, %gather3A_131 : vector<16xf32>
        %mul3A_133 = arith.mulf %sub3A_132, %sub3A_132 : vector<16xf32>
        %add3A_134 = arith.addf %add3A_125, %mul3A_133 : vector<16xf32>
        %mul3A_135 = arith.constant 16 : i32
        %mul3A_136 = arith.muli %scan3A_104, %mul3A_135 : i32
        %swap3A = arith.index_cast %mul3A_136 : i32 to index
        %swap3A_137 = tpu.vector_load %arg13[%swap3A] {strides = array<i32>} : memref<2000xf32, #tpu.memory_space<vmem>>, vector<16xf32>,
        tpu.vector_store %arg13[%swap3A], %add3A_134 {strides = array<i32>} : memref<2000xf32, #tpu.memory_space<vmem>>, vector<16xf32>,
      }
      %scan3A_103 = arith.constant 125 : i32
      "tpu.region"() ({
        %run_scoped3A = tpu.sem_alloc : memref<!tpu.dma_semaphore, #tpu.memory_space<semaphore_mem>>
        %dma_start3A_104 = tpu.memref_slice %arg6[%mul3A_97] : memref<64000xf32, #tpu.memory_space<hbm>> -> memref<2000xf32, #tpu.memory_space<hbm>>
        %dma_start3A_105 = tpu.memref_slice %arg6[%mul3A_97] : memref<64000xf32, #tpu.memory_space<hbm>> -> memref<2000xf32, #tpu.memory_space<hbm>>
        tpu.enqueue_dma source(%arg13 : memref<2000xf32, #tpu.memory_space<vmem>>) target(%dma_start3A_105 : memref<2000xf32, #tpu.memory_space<hbm>>) target_semaphore(%run_scoped3A : memref<!tpu.dma_semaphore, #tpu.memory_space<semaphore_mem>>)
        %dma_wait3A_106 = tpu.memref_slice %arg6[%mul3A_97] : memref<64000xf32, #tpu.memory_space<hbm>> -> memref<2000xf32, #tpu.memory_space<hbm>>
        %dma_wait3A_107 = tpu.memref_slice %arg6[%mul3A_97] : memref<64000xf32, #tpu.memory_space<hbm>> -> memref<2000xf32, #tpu.memory_space<hbm>>
        tpu.wait_dma2 semaphore(%run_scoped3A : memref<!tpu.dma_semaphore, #tpu.memory_space<semaphore_mem>>) src(%arg13 : memref<2000xf32, #tpu.memory_space<vmem>>) dst(%dma_wait3A_107 : memref<2000xf32, #tpu.memory_space<hbm>>)
        tpu.yield
      }) : () -> ()
    } else {
    }
    return
  }
}

module attributes {stable_mosaic.version = 14 : i64} {
  func.func @_node_body(%arg0: i32, %arg1: memref<32x2000xf32, #tpu.memory_space<vmem>>, %arg2: memref<16x25x2000xf32, #tpu.memory_space<vmem>>, %arg3: memref<2000x128xf32, #tpu.memory_space<vmem>>, %arg4: memref<16x128xf32, #tpu.memory_space<vmem>>, %arg5: memref<16x128xf32, #tpu.memory_space<vmem>>, %arg6: memref<128x128xf32, #tpu.memory_space<vmem>>, %arg7: memref<1x128xf32, #tpu.memory_space<vmem>>, %arg8: memref<1x128xf32, #tpu.memory_space<vmem>>, %arg9: memref<2000x128xf32, #tpu.memory_space<vmem>>) attributes {dimension_semantics = [#tpu.dimension_semantics<arbitrary>], iteration_bounds = array<i64: 25>, scalar_prefetch = 0 : i64, scratch_operands = 0 : i64, tpu.core_type = #tpu.core_type<tc>, window_params = [{pipeline_mode = #tpu.pipeline_mode<synchronous>, transform_indices = @transform_0, window_bounds = array<i64: 32, 2000>}, {pipeline_mode = #tpu.pipeline_mode<synchronous>, transform_indices = @transform_1, window_bounds = array<i64: 16, 25, 2000>}, {transform_indices = @transform_2, window_bounds = array<i64: 2000, 128>}, {pipeline_mode = #tpu.pipeline_mode<synchronous>, transform_indices = @transform_3, window_bounds = array<i64: 16, 128>}, {pipeline_mode = #tpu.pipeline_mode<synchronous>, transform_indices = @transform_4, window_bounds = array<i64: 16, 128>}, {pipeline_mode = #tpu.pipeline_mode<synchronous>, transform_indices = @transform_5, window_bounds = array<i64: 128, 128>}, {pipeline_mode = #tpu.pipeline_mode<synchronous>, transform_indices = @transform_6, window_bounds = array<i64: 1, 128>}, {pipeline_mode = #tpu.pipeline_mode<synchronous>, transform_indices = @transform_7, window_bounds = array<i64: 1, 128>}, {transform_indices = @transform_8, window_bounds = array<i64: 2000, 128>}]} {
    %get3A = arith.index_cast %arg0 : i32 to index
    %get3A_0 = arith.constant 0 : index
    %get3A_1 = vector.load %arg1[%get3A, %get3A_0] : memref<32x2000xf32, #tpu.memory_space<vmem>>, vector<1x2000xf32>
    %jit3A = arith.constant 9.99999993E-9 : f32
    %max3A = vector.broadcast %jit3A : f32 to vector<1x2000xf32>
    %max3A_2 = arith.maximumf %max3A, %get3A_1 : vector<1x2000xf32>
    %sqrt3A = math.sqrt %max3A_2 : vector<1x2000xf32>
    %iota3A = tpu.iota {dimensions = array<i32: 0>} : vector<16x1xi32>
    %convert_element_type3A = arith.sitofp %iota3A : vector<16x1xi32> to vector<16x1xf32>
    %mul3A = arith.constant 0.666666686 : f32
    %mul3A_3 = vector.broadcast %mul3A : f32 to vector<16x1xf32>
    %mul3A_4 = arith.mulf %convert_element_type3A, %mul3A_3 : vector<16x1xf32>
    %sub3A = vector.broadcast %sqrt3A : vector<1x2000xf32> to vector<16x2000xf32>
    %sub3A_5 = vector.broadcast %mul3A_4 : vector<16x1xf32> to vector<16x2000xf32>
    %sub3A_6 = arith.subf %sub3A, %sub3A_5 : vector<16x2000xf32>
    %mul3A_7 = arith.constant 1.600000e+00 : f32
    %mul3A_8 = vector.broadcast %mul3A_7 : f32 to vector<16x2000xf32>
    %mul3A_9 = arith.mulf %sub3A_6, %mul3A_8 : vector<16x2000xf32>
    %mul3A_10 = arith.mulf %mul3A_9, %mul3A_9 : vector<16x2000xf32>
    %neg3A = arith.constant 0.000000e+00 : f32
    %neg3A_11 = vector.broadcast %neg3A : f32 to vector<16x2000xf32>
    %neg3A_12 = arith.subf %neg3A_11, %mul3A_10 : vector<16x2000xf32>
    %exp3A = math.exp %neg3A_12 : vector<16x2000xf32>
    %get3A_13 = arith.constant 0 : index
    %get3A_14 = arith.index_cast %arg0 : i32 to index
    %get3A_15 = arith.constant 0 : index
    %get3A_16 = vector.load %arg2[%get3A_13, %get3A_14, %get3A_15] : memref<16x25x2000xf32, #tpu.memory_space<vmem>>, vector<16x1x2000xf32>
    %reshape3A = vector.shape_cast %get3A_16 : vector<16x1x2000xf32> to vector<16x2000xf32>
    %get3A_17 = arith.constant 0 : index
    %get3A_18 = arith.constant 0 : index
    %get3A_19 = vector.load %arg4[%get3A_17, %get3A_18] : memref<16x128xf32, #tpu.memory_space<vmem>>, vector<16x128xf32>
    %dot_general3A = arith.constant dense<0.000000e+00> : vector<2000x128xf32>
    %dot_general3A_20 = tpu.matmul %exp3A, %get3A_19, %dot_general3A {dimension_numbers = #tpu.dot_dimension_numbers<[0], [0], [1], [1], [0, 1, 1, 1], [], []>, transpose_lhs_hint = false} : vector<16x2000xf32>, vector<16x128xf32>, vector<2000x128xf32> -> vector<2000x128xf32>
    %get3A_21 = arith.constant 0 : index
    %get3A_22 = arith.constant 0 : index
    %get3A_23 = vector.load %arg5[%get3A_21, %get3A_22] : memref<16x128xf32, #tpu.memory_space<vmem>>, vector<16x128xf32>
    %dot_general3A_24 = arith.constant dense<0.000000e+00> : vector<2000x128xf32>
    %dot_general3A_25 = tpu.matmul %reshape3A, %get3A_23, %dot_general3A_24 {dimension_numbers = #tpu.dot_dimension_numbers<[0], [0], [1], [1], [0, 1, 1, 1], [], []>, transpose_lhs_hint = false} : vector<16x2000xf32>, vector<16x128xf32>, vector<2000x128xf32> -> vector<2000x128xf32>
    %add3A = arith.addf %dot_general3A_20, %dot_general3A_25 : vector<2000x128xf32>
    %get3A_26 = arith.constant 0 : index
    %get3A_27 = arith.constant 0 : index
    %get3A_28 = vector.load %arg7[%get3A_26, %get3A_27] : memref<1x128xf32, #tpu.memory_space<vmem>>, vector<1x128xf32>
    %add3A_29 = vector.broadcast %get3A_28 : vector<1x128xf32> to vector<2000x128xf32>
    %add3A_30 = arith.addf %add3A, %add3A_29 : vector<2000x128xf32>
    %get3A_31 = arith.constant 0 : index
    %get3A_32 = arith.constant 0 : index
    %get3A_33 = vector.load %arg6[%get3A_31, %get3A_32] : memref<128x128xf32, #tpu.memory_space<vmem>>, vector<128x128xf32>
    %dot_general3A_34 = arith.constant dense<0.000000e+00> : vector<2000x128xf32>
    %dot_general3A_35 = tpu.matmul %add3A_30, %get3A_33, %dot_general3A_34 {dimension_numbers = #tpu.dot_dimension_numbers<[1], [0], [0], [1], [0, 0, 1, 1], [], []>, transpose_lhs_hint = false} : vector<2000x128xf32>, vector<128x128xf32>, vector<2000x128xf32> -> vector<2000x128xf32>
    %get3A_36 = arith.constant 0 : index
    %get3A_37 = arith.constant 0 : index
    %get3A_38 = vector.load %arg8[%get3A_36, %get3A_37] : memref<1x128xf32, #tpu.memory_space<vmem>>, vector<1x128xf32>
    %add3A_39 = vector.broadcast %get3A_38 : vector<1x128xf32> to vector<2000x128xf32>
    %add3A_40 = arith.addf %dot_general3A_35, %add3A_39 : vector<2000x128xf32>
    %get3A_41 = arith.constant 0 : index
    %get3A_42 = arith.constant 0 : index
    %get3A_43 = vector.load %arg3[%get3A_41, %get3A_42] : memref<2000x128xf32, #tpu.memory_space<vmem>>, vector<2000x128xf32>
    %logistic3A = arith.negf %add3A_40 : vector<2000x128xf32>
    %logistic3A_44 = math.exp %logistic3A : vector<2000x128xf32>
    %logistic3A_45 = arith.constant 1.000000e+00 : f32
    %logistic3A_46 = vector.broadcast %logistic3A_45 : f32 to vector<2000x128xf32>
    %logistic3A_47 = arith.addf %logistic3A_46, %logistic3A_44 : vector<2000x128xf32>
    %logistic3A_48 = arith.divf %logistic3A_46, %logistic3A_47 : vector<2000x128xf32>
    %mul3A_49 = arith.mulf %add3A_40, %logistic3A_48 : vector<2000x128xf32>
    %add3A_50 = arith.addf %get3A_43, %mul3A_49 : vector<2000x128xf32>
    %swap3A = arith.constant 0 : index
    %swap3A_51 = arith.constant 0 : index
    %swap3A_52 = vector.load %arg9[%swap3A, %swap3A_51] : memref<2000x128xf32, #tpu.memory_space<vmem>>, vector<2000x128xf32>
    tpu.vector_store %arg9[%swap3A, %swap3A_51], %add3A_50 {strides = array<i32>} : memref<2000x128xf32, #tpu.memory_space<vmem>>, vector<2000x128xf32>,
    return
  }
  func.func @transform_0(%arg0: i32) -> (i32, i32) {
    %c0_i32 = arith.constant 0 : i32
    %c0_i32_0 = arith.constant 0 : i32
    %c0_i32_1 = arith.constant 0 : i32
    return %c0_i32, %c0_i32_0 : i32, i32
  }
  func.func @transform_1(%arg0: i32) -> (i32, i32, i32) {
    %c0_i32 = arith.constant 0 : i32
    %c0_i32_0 = arith.constant 0 : i32
    %c0_i32_1 = arith.constant 0 : i32
    %c0_i32_2 = arith.constant 0 : i32
    return %c0_i32, %c0_i32_0, %c0_i32_1 : i32, i32, i32
  }
  func.func @transform_2(%arg0: i32) -> (i32, i32) {
    %c0_i32 = arith.constant 0 : i32
    %c0_i32_0 = arith.constant 0 : i32
    return %arg0, %c0_i32 : i32, i32
  }
  func.func @transform_3(%arg0: i32) -> (i32, i32) {
    %c0_i32 = arith.constant 0 : i32
    %c0_i32_0 = arith.constant 0 : i32
    %c0_i32_1 = arith.constant 0 : i32
    return %c0_i32, %c0_i32_0 : i32, i32
  }
  func.func @transform_4(%arg0: i32) -> (i32, i32) {
    %c0_i32 = arith.constant 0 : i32
    %c0_i32_0 = arith.constant 0 : i32
    %c0_i32_1 = arith.constant 0 : i32
    return %c0_i32, %c0_i32_0 : i32, i32
  }
  func.func @transform_5(%arg0: i32) -> (i32, i32) {
    %c0_i32 = arith.constant 0 : i32
    %c0_i32_0 = arith.constant 0 : i32
    %c0_i32_1 = arith.constant 0 : i32
    return %c0_i32, %c0_i32_0 : i32, i32
  }
  func.func @transform_6(%arg0: i32) -> (i32, i32) {
    %c0_i32 = arith.constant 0 : i32
    %c0_i32_0 = arith.constant 0 : i32
    %c0_i32_1 = arith.constant 0 : i32
    return %c0_i32, %c0_i32_0 : i32, i32
  }
  func.func @transform_7(%arg0: i32) -> (i32, i32) {
    %c0_i32 = arith.constant 0 : i32
    %c0_i32_0 = arith.constant 0 : i32
    %c0_i32_1 = arith.constant 0 : i32
    return %c0_i32, %c0_i32_0 : i32, i32
  }
  func.func @transform_8(%arg0: i32) -> (i32, i32) {
    %c0_i32 = arith.constant 0 : i32
    %c0_i32_0 = arith.constant 0 : i32
    return %arg0, %c0_i32 : i32, i32
  }
}

module attributes {stable_mosaic.version = 14 : i64} {
  func.func @_edge_body(%arg0: i32, %arg1: memref<64x3200xf32, #tpu.memory_space<vmem>>, %arg2: memref<5x3200xf32, #tpu.memory_space<vmem>>, %arg3: memref<128x3200xf32, #tpu.memory_space<vmem>>, %arg4: memref<128x3200xf32, #tpu.memory_space<vmem>>, %arg5: memref<64x64xf32, #tpu.memory_space<vmem>>, %arg6: memref<64x5xf32, #tpu.memory_space<vmem>>, %arg7: memref<64x16xf32, #tpu.memory_space<vmem>>, %arg8: memref<64x1xf32, #tpu.memory_space<vmem>>, %arg9: memref<64x3200xf32, #tpu.memory_space<vmem>>) attributes {dimension_semantics = [#tpu.dimension_semantics<arbitrary>], iteration_bounds = array<i64: 250>, scalar_prefetch = 0 : i64, scratch_operands = 0 : i64, tpu.core_type = #tpu.core_type<tc>, window_params = [{transform_indices = @transform_0, window_bounds = array<i64: 64, 3200>}, {transform_indices = @transform_1, window_bounds = array<i64: 5, 3200>}, {pipeline_mode = #tpu.pipeline_mode<synchronous>, transform_indices = @transform_2, window_bounds = array<i64: 128, 3200>}, {pipeline_mode = #tpu.pipeline_mode<synchronous>, transform_indices = @transform_3, window_bounds = array<i64: 128, 3200>}, {pipeline_mode = #tpu.pipeline_mode<synchronous>, transform_indices = @transform_4, window_bounds = array<i64: 64, 64>}, {pipeline_mode = #tpu.pipeline_mode<synchronous>, transform_indices = @transform_5, window_bounds = array<i64: 64, 5>}, {pipeline_mode = #tpu.pipeline_mode<synchronous>, transform_indices = @transform_6, window_bounds = array<i64: 64, 16>}, {pipeline_mode = #tpu.pipeline_mode<synchronous>, transform_indices = @transform_7, window_bounds = array<i64: 64, 1>}, {transform_indices = @transform_8, window_bounds = array<i64: 64, 3200>}]} {
    %jit3A = arith.constant 2 : i32
    %div3A = arith.divsi %arg0, %jit3A : i32
    %sign3A = arith.constant 0 : i32
    %sign3A_0 = arith.cmpi sgt, %arg0, %sign3A : i32
    %sign3A_1 = arith.extui %sign3A_0 : i1 to i32
    %sign3A_2 = arith.constant 0 : i32
    %sign3A_3 = arith.cmpi slt, %arg0, %sign3A_2 : i32
    %sign3A_4 = arith.extui %sign3A_3 : i1 to i32
    %sign3A_5 = arith.subi %sign3A_1, %sign3A_4 : i32
    %sign3A_6 = arith.constant 0 : i32
    %sign3A_7 = arith.cmpi sgt, %jit3A, %sign3A_6 : i32
    %sign3A_8 = arith.extui %sign3A_7 : i1 to i32
    %sign3A_9 = arith.constant 0 : i32
    %sign3A_10 = arith.cmpi slt, %jit3A, %sign3A_9 : i32
    %sign3A_11 = arith.extui %sign3A_10 : i1 to i32
    %sign3A_12 = arith.subi %sign3A_8, %sign3A_11 : i32
    %ne3A = arith.cmpi ne, %sign3A_5, %sign3A_12 : i32
    %rem3A = arith.remsi %arg0, %jit3A : i32
    %ne3A_13 = arith.constant 0 : i32
    %ne3A_14 = arith.cmpi ne, %rem3A, %ne3A_13 : i32
    %and3A = arith.andi %ne3A, %ne3A_14 : i1
    %sub3A = arith.constant 1 : i32
    %sub3A_15 = arith.subi %div3A, %sub3A : i32
    %select_n3A = arith.select %and3A, %sub3A_15, %div3A : i32
    %iota3A = tpu.iota {dimensions = array<i32: 0>} : vector<16x1xi32>
    %convert_element_type3A = arith.sitofp %iota3A : vector<16x1xi32> to vector<16x1xf32>
    %mul3A = arith.constant 0.666666686 : f32
    %mul3A_16 = vector.broadcast %mul3A : f32 to vector<16x1xf32>
    %mul3A_17 = arith.mulf %convert_element_type3A, %mul3A_16 : vector<16x1xf32>
    %get3A = arith.index_cast %select_n3A : i32 to index
    %get3A_18 = arith.constant 0 : index
    %get3A_19 = vector.load %arg3[%get3A, %get3A_18] : memref<128x3200xf32, #tpu.memory_space<vmem>>, vector<1x3200xf32>
    %jit3A_20 = arith.constant 9.99999993E-9 : f32
    %max3A = vector.broadcast %jit3A_20 : f32 to vector<1x3200xf32>
    %max3A_21 = arith.maximumf %max3A, %get3A_19 : vector<1x3200xf32>
    %sqrt3A = math.sqrt %max3A_21 : vector<1x3200xf32>
    %get3A_22 = arith.index_cast %select_n3A : i32 to index
    %get3A_23 = arith.constant 0 : index
    %get3A_24 = vector.load %arg4[%get3A_22, %get3A_23] : memref<128x3200xf32, #tpu.memory_space<vmem>>, vector<1x3200xf32>
    %jit3A_25 = arith.constant 9.99999993E-9 : f32
    %max3A_26 = vector.broadcast %jit3A_25 : f32 to vector<1x3200xf32>
    %max3A_27 = arith.maximumf %max3A_26, %get3A_24 : vector<1x3200xf32>
    %sqrt3A_28 = math.sqrt %max3A_27 : vector<1x3200xf32>
    %sub3A_29 = vector.broadcast %sqrt3A : vector<1x3200xf32> to vector<16x3200xf32>
    %sub3A_30 = vector.broadcast %mul3A_17 : vector<16x1xf32> to vector<16x3200xf32>
    %sub3A_31 = arith.subf %sub3A_29, %sub3A_30 : vector<16x3200xf32>
    %mul3A_32 = arith.constant 1.600000e+00 : f32
    %mul3A_33 = vector.broadcast %mul3A_32 : f32 to vector<16x3200xf32>
    %mul3A_34 = arith.mulf %sub3A_31, %mul3A_33 : vector<16x3200xf32>
    %sub3A_35 = vector.broadcast %sqrt3A_28 : vector<1x3200xf32> to vector<16x3200xf32>
    %sub3A_36 = vector.broadcast %mul3A_17 : vector<16x1xf32> to vector<16x3200xf32>
    %sub3A_37 = arith.subf %sub3A_35, %sub3A_36 : vector<16x3200xf32>
    %mul3A_38 = arith.constant 1.600000e+00 : f32
    %mul3A_39 = vector.broadcast %mul3A_38 : f32 to vector<16x3200xf32>
    %mul3A_40 = arith.mulf %sub3A_37, %mul3A_39 : vector<16x3200xf32>
    %mul3A_41 = arith.mulf %mul3A_40, %mul3A_40 : vector<16x3200xf32>
    %neg3A = arith.constant 0.000000e+00 : f32
    %neg3A_42 = vector.broadcast %neg3A : f32 to vector<16x3200xf32>
    %neg3A_43 = arith.subf %neg3A_42, %mul3A_41 : vector<16x3200xf32>
    %exp3A = math.exp %neg3A_43 : vector<16x3200xf32>
    %mul3A_44 = arith.mulf %mul3A_34, %mul3A_34 : vector<16x3200xf32>
    %neg3A_45 = arith.constant 0.000000e+00 : f32
    %neg3A_46 = vector.broadcast %neg3A_45 : f32 to vector<16x3200xf32>
    %neg3A_47 = arith.subf %neg3A_46, %mul3A_44 : vector<16x3200xf32>
    %exp3A_48 = math.exp %neg3A_47 : vector<16x3200xf32>
    %sub3A_49 = arith.subf %exp3A, %exp3A_48 : vector<16x3200xf32>
    %get3A_50 = arith.constant 0 : index
    %get3A_51 = arith.constant 0 : index
    %get3A_52 = vector.load %arg5[%get3A_50, %get3A_51] : memref<64x64xf32, #tpu.memory_space<vmem>>, vector<64x64xf32>
    %get3A_53 = arith.constant 0 : index
    %get3A_54 = arith.constant 0 : index
    %get3A_55 = vector.load %arg1[%get3A_53, %get3A_54] : memref<64x3200xf32, #tpu.memory_space<vmem>>, vector<64x3200xf32>
    %dot_general3A = arith.constant dense<0.000000e+00> : vector<64x3200xf32>
    %dot_general3A_56 = tpu.matmul %get3A_52, %get3A_55, %dot_general3A {dimension_numbers = #tpu.dot_dimension_numbers<[1], [0], [0], [1], [0, 0, 1, 1], [], []>, transpose_lhs_hint = false} : vector<64x64xf32>, vector<64x3200xf32>, vector<64x3200xf32> -> vector<64x3200xf32>
    %get3A_57 = arith.constant 0 : index
    %get3A_58 = arith.constant 0 : index
    %get3A_59 = vector.load %arg7[%get3A_57, %get3A_58] : memref<64x16xf32, #tpu.memory_space<vmem>>, vector<64x16xf32>
    %dot_general3A_60 = arith.constant dense<0.000000e+00> : vector<64x3200xf32>
    %dot_general3A_61 = tpu.matmul %get3A_59, %sub3A_49, %dot_general3A_60 {dimension_numbers = #tpu.dot_dimension_numbers<[1], [0], [0], [1], [0, 0, 1, 1], [], []>, transpose_lhs_hint = false} : vector<64x16xf32>, vector<16x3200xf32>, vector<64x3200xf32> -> vector<64x3200xf32>
    %add3A = arith.addf %dot_general3A_56, %dot_general3A_61 : vector<64x3200xf32>
    %get3A_62 = arith.constant 0 : index
    %get3A_63 = arith.constant 0 : index
    %get3A_64 = vector.load %arg8[%get3A_62, %get3A_63] : memref<64x1xf32, #tpu.memory_space<vmem>>, vector<64x1xf32>
    %add3A_65 = vector.broadcast %get3A_64 : vector<64x1xf32> to vector<64x3200xf32>
    %add3A_66 = arith.addf %add3A, %add3A_65 : vector<64x3200xf32>
    %get3A_67 = arith.constant 0 : index
    %get3A_68 = arith.constant 0 : index
    %get3A_69 = vector.load %arg2[%get3A_67, %get3A_68] : memref<5x3200xf32, #tpu.memory_space<vmem>>, vector<5x3200xf32>
    %get3A_70 = arith.constant 0 : index
    %get3A_71 = arith.constant 0 : index
    %get3A_72 = vector.load %arg6[%get3A_70, %get3A_71] : memref<64x5xf32, #tpu.memory_space<vmem>>, vector<64x1xf32>
    %slice3A = vector.extract_strided_slice %get3A_69 {offsets = [0, 0], sizes = [1, 3200], strides = [1, 1]} : vector<5x3200xf32> to vector<1x3200xf32>
    %mul3A_73 = vector.broadcast %get3A_72 : vector<64x1xf32> to vector<64x3200xf32>
    %mul3A_74 = vector.broadcast %slice3A : vector<1x3200xf32> to vector<64x3200xf32>
    %mul3A_75 = arith.mulf %mul3A_73, %mul3A_74 : vector<64x3200xf32>
    %add3A_76 = arith.addf %add3A_66, %mul3A_75 : vector<64x3200xf32>
    %get3A_77 = arith.constant 0 : index
    %get3A_78 = arith.constant 1 : index
    %get3A_79 = vector.load %arg6[%get3A_77, %get3A_78] : memref<64x5xf32, #tpu.memory_space<vmem>>, vector<64x1xf32>
    %slice3A_80 = vector.extract_strided_slice %get3A_69 {offsets = [1, 0], sizes = [1, 3200], strides = [1, 1]} : vector<5x3200xf32> to vector<1x3200xf32>
    %mul3A_81 = vector.broadcast %get3A_79 : vector<64x1xf32> to vector<64x3200xf32>
    %mul3A_82 = vector.broadcast %slice3A_80 : vector<1x3200xf32> to vector<64x3200xf32>
    %mul3A_83 = arith.mulf %mul3A_81, %mul3A_82 : vector<64x3200xf32>
    %add3A_84 = arith.addf %add3A_76, %mul3A_83 : vector<64x3200xf32>
    %get3A_85 = arith.constant 0 : index
    %get3A_86 = arith.constant 2 : index
    %get3A_87 = vector.load %arg6[%get3A_85, %get3A_86] : memref<64x5xf32, #tpu.memory_space<vmem>>, vector<64x1xf32>
    %slice3A_88 = vector.extract_strided_slice %get3A_69 {offsets = [2, 0], sizes = [1, 3200], strides = [1, 1]} : vector<5x3200xf32> to vector<1x3200xf32>
    %mul3A_89 = vector.broadcast %get3A_87 : vector<64x1xf32> to vector<64x3200xf32>
    %mul3A_90 = vector.broadcast %slice3A_88 : vector<1x3200xf32> to vector<64x3200xf32>
    %mul3A_91 = arith.mulf %mul3A_89, %mul3A_90 : vector<64x3200xf32>
    %add3A_92 = arith.addf %add3A_84, %mul3A_91 : vector<64x3200xf32>
    %get3A_93 = arith.constant 0 : index
    %get3A_94 = arith.constant 3 : index
    %get3A_95 = vector.load %arg6[%get3A_93, %get3A_94] : memref<64x5xf32, #tpu.memory_space<vmem>>, vector<64x1xf32>
    %slice3A_96 = vector.extract_strided_slice %get3A_69 {offsets = [3, 0], sizes = [1, 3200], strides = [1, 1]} : vector<5x3200xf32> to vector<1x3200xf32>
    %mul3A_97 = vector.broadcast %get3A_95 : vector<64x1xf32> to vector<64x3200xf32>
    %mul3A_98 = vector.broadcast %slice3A_96 : vector<1x3200xf32> to vector<64x3200xf32>
    %mul3A_99 = arith.mulf %mul3A_97, %mul3A_98 : vector<64x3200xf32>
    %add3A_100 = arith.addf %add3A_92, %mul3A_99 : vector<64x3200xf32>
    %get3A_101 = arith.constant 0 : index
    %get3A_102 = arith.constant 4 : index
    %get3A_103 = vector.load %arg6[%get3A_101, %get3A_102] : memref<64x5xf32, #tpu.memory_space<vmem>>, vector<64x1xf32>
    %slice3A_104 = vector.extract_strided_slice %get3A_69 {offsets = [4, 0], sizes = [1, 3200], strides = [1, 1]} : vector<5x3200xf32> to vector<1x3200xf32>
    %mul3A_105 = vector.broadcast %get3A_103 : vector<64x1xf32> to vector<64x3200xf32>
    %mul3A_106 = vector.broadcast %slice3A_104 : vector<1x3200xf32> to vector<64x3200xf32>
    %mul3A_107 = arith.mulf %mul3A_105, %mul3A_106 : vector<64x3200xf32>
    %add3A_108 = arith.addf %add3A_100, %mul3A_107 : vector<64x3200xf32>
    %logistic3A = arith.negf %add3A_108 : vector<64x3200xf32>
    %logistic3A_109 = math.exp %logistic3A : vector<64x3200xf32>
    %logistic3A_110 = arith.constant 1.000000e+00 : f32
    %logistic3A_111 = vector.broadcast %logistic3A_110 : f32 to vector<64x3200xf32>
    %logistic3A_112 = arith.addf %logistic3A_111, %logistic3A_109 : vector<64x3200xf32>
    %logistic3A_113 = arith.divf %logistic3A_111, %logistic3A_112 : vector<64x3200xf32>
    %mul3A_114 = arith.mulf %add3A_108, %logistic3A_113 : vector<64x3200xf32>
    %swap3A = arith.constant 0 : index
    %swap3A_115 = arith.constant 0 : index
    %swap3A_116 = vector.load %arg9[%swap3A, %swap3A_115] : memref<64x3200xf32, #tpu.memory_space<vmem>>, vector<64x3200xf32>
    tpu.vector_store %arg9[%swap3A, %swap3A_115], %mul3A_114 {strides = array<i32>} : memref<64x3200xf32, #tpu.memory_space<vmem>>, vector<64x3200xf32>,
    return
  }
  func.func @transform_0(%arg0: i32) -> (i32, i32) {
    %jit3A = arith.constant 2 : i32
    %div3A = arith.divsi %arg0, %jit3A : i32
    %sign3A = arith.constant 0 : i32
    %sign3A_0 = arith.cmpi sgt, %arg0, %sign3A : i32
    %sign3A_1 = arith.extui %sign3A_0 : i1 to i32
    %sign3A_2 = arith.constant 0 : i32
    %sign3A_3 = arith.cmpi slt, %arg0, %sign3A_2 : i32
    %sign3A_4 = arith.extui %sign3A_3 : i1 to i32
    %sign3A_5 = arith.subi %sign3A_1, %sign3A_4 : i32
    %sign3A_6 = arith.constant 0 : i32
    %sign3A_7 = arith.cmpi sgt, %jit3A, %sign3A_6 : i32
    %sign3A_8 = arith.extui %sign3A_7 : i1 to i32
    %sign3A_9 = arith.constant 0 : i32
    %sign3A_10 = arith.cmpi slt, %jit3A, %sign3A_9 : i32
    %sign3A_11 = arith.extui %sign3A_10 : i1 to i32
    %sign3A_12 = arith.subi %sign3A_8, %sign3A_11 : i32
    %ne3A = arith.cmpi ne, %sign3A_5, %sign3A_12 : i32
    %rem3A = arith.remsi %arg0, %jit3A : i32
    %ne3A_13 = arith.constant 0 : i32
    %ne3A_14 = arith.cmpi ne, %rem3A, %ne3A_13 : i32
    %and3A = arith.andi %ne3A, %ne3A_14 : i1
    %sub3A = arith.constant 1 : i32
    %sub3A_15 = arith.subi %div3A, %sub3A : i32
    %select_n3A = arith.select %and3A, %sub3A_15, %div3A : i32
    %c0_i32 = arith.constant 0 : i32
    %c0_i32_16 = arith.constant 0 : i32
    return %c0_i32, %select_n3A : i32, i32
  }
  func.func @transform_1(%arg0: i32) -> (i32, i32) {
    %jit3A = arith.constant 2 : i32
    %div3A = arith.divsi %arg0, %jit3A : i32
    %sign3A = arith.constant 0 : i32
    %sign3A_0 = arith.cmpi sgt, %arg0, %sign3A : i32
    %sign3A_1 = arith.extui %sign3A_0 : i1 to i32
    %sign3A_2 = arith.constant 0 : i32
    %sign3A_3 = arith.cmpi slt, %arg0, %sign3A_2 : i32
    %sign3A_4 = arith.extui %sign3A_3 : i1 to i32
    %sign3A_5 = arith.subi %sign3A_1, %sign3A_4 : i32
    %sign3A_6 = arith.constant 0 : i32
    %sign3A_7 = arith.cmpi sgt, %jit3A, %sign3A_6 : i32
    %sign3A_8 = arith.extui %sign3A_7 : i1 to i32
    %sign3A_9 = arith.constant 0 : i32
    %sign3A_10 = arith.cmpi slt, %jit3A, %sign3A_9 : i32
    %sign3A_11 = arith.extui %sign3A_10 : i1 to i32
    %sign3A_12 = arith.subi %sign3A_8, %sign3A_11 : i32
    %ne3A = arith.cmpi ne, %sign3A_5, %sign3A_12 : i32
    %rem3A = arith.remsi %arg0, %jit3A : i32
    %ne3A_13 = arith.constant 0 : i32
    %ne3A_14 = arith.cmpi ne, %rem3A, %ne3A_13 : i32
    %and3A = arith.andi %ne3A, %ne3A_14 : i1
    %sub3A = arith.constant 1 : i32
    %sub3A_15 = arith.subi %div3A, %sub3A : i32
    %select_n3A = arith.select %and3A, %sub3A_15, %div3A : i32
    %c0_i32 = arith.constant 0 : i32
    %c0_i32_16 = arith.constant 0 : i32
    return %c0_i32, %select_n3A : i32, i32
  }
  func.func @transform_2(%arg0: i32) -> (i32, i32) {
    %c0_i32 = arith.constant 0 : i32
    %c0_i32_0 = arith.constant 0 : i32
    %c0_i32_1 = arith.constant 0 : i32
    return %c0_i32, %c0_i32_0 : i32, i32
  }
  func.func @transform_3(%arg0: i32) -> (i32, i32) {
    %c0_i32 = arith.constant 0 : i32
    %c0_i32_0 = arith.constant 0 : i32
    %c0_i32_1 = arith.constant 0 : i32
    return %c0_i32, %c0_i32_0 : i32, i32
  }
  func.func @transform_4(%arg0: i32) -> (i32, i32) {
    %c0_i32 = arith.constant 0 : i32
    %c0_i32_0 = arith.constant 0 : i32
    %c0_i32_1 = arith.constant 0 : i32
    return %c0_i32, %c0_i32_0 : i32, i32
  }
  func.func @transform_5(%arg0: i32) -> (i32, i32) {
    %c0_i32 = arith.constant 0 : i32
    %c0_i32_0 = arith.constant 0 : i32
    %c0_i32_1 = arith.constant 0 : i32
    return %c0_i32, %c0_i32_0 : i32, i32
  }
  func.func @transform_6(%arg0: i32) -> (i32, i32) {
    %c0_i32 = arith.constant 0 : i32
    %c0_i32_0 = arith.constant 0 : i32
    %c0_i32_1 = arith.constant 0 : i32
    return %c0_i32, %c0_i32_0 : i32, i32
  }
  func.func @transform_7(%arg0: i32) -> (i32, i32) {
    %c0_i32 = arith.constant 0 : i32
    %c0_i32_0 = arith.constant 0 : i32
    %c0_i32_1 = arith.constant 0 : i32
    return %c0_i32, %c0_i32_0 : i32, i32
  }
  func.func @transform_8(%arg0: i32) -> (i32, i32) {
    %jit3A = arith.constant 2 : i32
    %eq3A = arith.constant 0 : i32
    %eq3A_0 = arith.cmpi eq, %jit3A, %eq3A : i32
    %jit3A_1 = arith.constant 1 : i32
    %select_n3A = arith.select %eq3A_0, %jit3A_1, %jit3A : i32
    %rem3A = arith.remsi %arg0, %select_n3A : i32
    %ne3A = arith.constant 0 : i32
    %ne3A_2 = arith.cmpi ne, %rem3A, %ne3A : i32
    %lt3A = arith.constant 0 : i32
    %lt3A_3 = arith.cmpi slt, %rem3A, %lt3A : i32
    %lt3A_4 = arith.constant 0 : i32
    %lt3A_5 = arith.cmpi slt, %select_n3A, %lt3A_4 : i32
    %ne3A_6 = arith.xori %lt3A_3, %lt3A_5 : i1
    %and3A = arith.andi %ne3A_6, %ne3A_2 : i1
    %add3A = arith.addi %rem3A, %select_n3A : i32
    %select_n3A_7 = arith.select %and3A, %add3A, %rem3A : i32
    %mul3A = arith.constant 125 : i32
    %mul3A_8 = arith.muli %select_n3A_7, %mul3A : i32
    %jit3A_9 = arith.constant 2 : i32
    %div3A = arith.divsi %arg0, %jit3A_9 : i32
    %sign3A = arith.constant 0 : i32
    %sign3A_10 = arith.cmpi sgt, %arg0, %sign3A : i32
    %sign3A_11 = arith.extui %sign3A_10 : i1 to i32
    %sign3A_12 = arith.constant 0 : i32
    %sign3A_13 = arith.cmpi slt, %arg0, %sign3A_12 : i32
    %sign3A_14 = arith.extui %sign3A_13 : i1 to i32
    %sign3A_15 = arith.subi %sign3A_11, %sign3A_14 : i32
    %sign3A_16 = arith.constant 0 : i32
    %sign3A_17 = arith.cmpi sgt, %jit3A_9, %sign3A_16 : i32
    %sign3A_18 = arith.extui %sign3A_17 : i1 to i32
    %sign3A_19 = arith.constant 0 : i32
    %sign3A_20 = arith.cmpi slt, %jit3A_9, %sign3A_19 : i32
    %sign3A_21 = arith.extui %sign3A_20 : i1 to i32
    %sign3A_22 = arith.subi %sign3A_18, %sign3A_21 : i32
    %ne3A_23 = arith.cmpi ne, %sign3A_15, %sign3A_22 : i32
    %rem3A_24 = arith.remsi %arg0, %jit3A_9 : i32
    %ne3A_25 = arith.constant 0 : i32
    %ne3A_26 = arith.cmpi ne, %rem3A_24, %ne3A_25 : i32
    %and3A_27 = arith.andi %ne3A_23, %ne3A_26 : i1
    %sub3A = arith.constant 1 : i32
    %sub3A_28 = arith.subi %div3A, %sub3A : i32
    %select_n3A_29 = arith.select %and3A_27, %sub3A_28, %div3A : i32
    %add3A_30 = arith.addi %mul3A_8, %select_n3A_29 : i32
    %c0_i32 = arith.constant 0 : i32
    %c0_i32_31 = arith.constant 0 : i32
    return %c0_i32, %add3A_30 : i32, i32
  }
}

</mosaic_0001>

<sc_bundles>
// kernel: kernel.5.cloned.1.call-start
scs
__scs_entry_jumppad:
0x0: {  	(pc) =	sbr.rel $0x88, $3  }
0x1: {  	(tag) =	ssettag $0x0;
	lr =	simm.s32 $0x1  }
0x2: {  	[smem:$0x3F92] =	sst lr;
	_ =	strace $0xD0000000  }
0x3: {  	_ = 	snop  }
0x4: {  	_ = 	snop  }
0x5: {  	_ = 	snop  }
0x6: {  	_ = 	snop  }
0x7: {  	_ = 	snop  }
__scs_overlays_trampoline_lowered:
0x8: {  	[smem:$0x3FA1] =	sst s0  }
0x9: {  	[smem:$0x3FA2] =	sst s1  }
0xa: {  	[smem:$0x3FA3] =	sst s2  }
0xb: {  	[smem:$0x3FA4] =	sst s3  }
0xc: {  	[smem:$0x3FA5] =	sst s4  }
0xd: {  	[smem:$0x3FA6] =	sst s5  }
0xe: {  	[smem:$0x3FA7] =	sst s6  }
0xf: {  	[smem:$0x3FA8] =	sst s7  }
0x10: {  	[smem:$0x3FA9] =	sst s8  }
0x11: {  	[smem:$0x3FAA] =	sst s9;
	s0 =	simm.s32 @!p0 $0x0  }
0x12: {  	s1 =	sld [smem:$0x3F90];
	s0 =	simm.s32 @p0 $0x1  }
0x13: {  	[smem:$0x3FAB] =	sst s0;
	s0 =	simm.s32 @!p1 $0x0  }
0x14: {  	s2 =	sld [smem:$0x3F8F];
	s0 =	simm.s32 @p1 $0x1  }
0x15: {  	[smem:$0x3FAC] =	sst s0;
	s0 =	simm.s32 @!p2 $0x0  }
0x16: {  	s3 =	sld [smem:$0x3FDB];
	s0 =	simm.s32 @p2 $0x1  }
0x17: {  	s4 =	simm.s32 $0x1BF5;
	[smem:$0x3FAE] =	sst s0  }
0x18: {  	s0 =	sld [smem:$0x3F91];
	_ =	swait.ge [sflag:s4], $0x0  }
0x19: {  	s7 =	sld [smem:$0x3F92]  }
0x1a: {  	s8 =	sadd.s32 $0xFFFFE003, lr  }
0x1b: {  	s9 =	sadd.s32 $0xFFFFFEF7, lr;
	s5 =	simm.s32 $0xFFFFFFFF;
	p2 =	slt.u32 s8, $0xFFFFF086  }
0x1c: {  	p1 =	slt.u32 s9, $0xF7A;
	s5 =	simm.s32 @!p2 $0x0  }
0x1d: {  	s5 =	simm.s32 @p1 $0x1;
	p0 =	seq.s32 s7, s2  }
0x1e: {  	s7 =	smul.u32 @!p0 $0xF7A, s2;
	p2 =	seq.s32 @!p0 s5, $0x0  }
0x1f: {  	s9 =	smul.u32 $0xF7A, s1;
	s8 =	simm.s32 @!p0 $0x1BF5;
	p2 =	por !p2, p0  }
0x20: {  	[sflag:s8] =	ssyncset.s32 @!p0 $0xFFFFF086;
	s6 =	sadd.s32 @!p0 s3, s7;
	s7 =	simm.s32 @!p0 $0x108  }
0x21: {  	s3 =	sadd.s32 s3, s9;
	s6 =	sadd.s32 @!p0 $0x88, s6;
	s7 =	simm.s32 @p2 $0x1082  }
0x22: {  	[simem:s7], [sflag:s8] =	dma.local @!p0 [hbm:s6], $0xF7A  }
0x23: {  	s9 =	sor.u32 $0xD0000000, s2;
	s6 =	simm.s32 $0x108;
	_ =	swait.ge @!p0 [sflag:s8], $0x0  }
0x24: {  	s3 =	sadd.s32 $0x88, s3;
	s6 =	simm.s32 @!p1 $0x1082;
	[sflag:s4] =	ssyncset.s32 $0xFFFFF086  }
0x25: {  	[simem:s6], [sflag:s4] =	dma.local [hbm:s3], $0xF7A  }
0x26: {  	[smem:$0x3F92] =	sst s1;
	(tag) =	ssettag s2;
	_ =	strace s9  }
0x27: {  	s1 =	sld [smem:$0x3FA2]  }
0x28: {  	s2 =	sld [smem:$0x3FA3]  }
0x29: {  	s4 =	sld [smem:$0x3FA5]  }
0x2a: {  	p0 =	seq.s32 s5, $0x0;
	s5 =	sld [smem:$0x3FA6]  }
0x2b: {  	s6 =	sld [smem:$0x3FA7]  }
0x2c: {  	s7 =	sld [smem:$0x3FA8]  }
0x2d: {  	s3 =	simm.s32 $0x108;
	s8 =	sld [smem:$0x3FA9]  }
0x2e: {  	s3 =	simm.s32 @!p0 $0x1082;
	s9 =	sld [smem:$0x3FAA]  }
0x2f: {  	lr =	sadd.s32 s0, s3;
	s0 =	sld [smem:$0x3FA1]  }
0x30: {  	s3 =	sld [smem:$0x3FA4]  }
0x31: {  	[smem:$0x3FAD] =	sst s10  }
0x32: {  	s10 =	sld [smem:$0x3FAB];
	_ =	sdelay $0x3  }
0x33: {  	p0 =	seq.s32 s10, $0x1;
	s10 =	sld [smem:$0x3FAD];
	_ =	sdelay $0x3  }
0x34: {  	[smem:$0x3FAD] =	sst s10  }
0x35: {  	s10 =	sld [smem:$0x3FAC];
	_ =	sdelay $0x3  }
0x36: {  	p1 =	seq.s32 s10, $0x1;
	s10 =	sld [smem:$0x3FAD];
	_ =	sdelay $0x3  }
0x37: {  	[smem:$0x3FAD] =	sst s10  }
0x38: {  	s10 =	sld [smem:$0x3FAE]  }
0x39: {  	_ = 	snop;
	(pc) =	sbr.ind lr, $3  }
0x3a: {  	_ = 	snop  }
0x3b: {  	_ = 	snop  }
0x3c: {  	p2 =	seq.s32 s10, $0x1;
	s10 =	sld [smem:$0x3FAD]  }
0x3d: {  	_ =	shalt  }
0x3e: {  	_ =	shalt  }
0x3f: {  	_ =	shalt  }
0x40: {  	_ =	shalt  }
0x41: {  	_ =	shalt  }
0x42: {  	_ =	shalt  }
0x43: {  	_ =	shalt  }
0x44: {  	_ =	shalt  }
0x45: {  	_ =	shalt  }
0x46: {  	_ =	shalt  }
0x47: {  	_ =	shalt  }
0x48: {  	_ =	shalt  }
0x49: {  	_ =	shalt  }
0x4a: {  	_ =	shalt  }
0x4b: {  	_ =	shalt  }
0x4c: {  	_ =	shalt  }
0x4d: {  	_ =	shalt  }
0x4e: {  	_ =	shalt  }
0x4f: {  	_ =	shalt  }
0x50: {  	_ =	shalt  }
0x51: {  	_ =	shalt  }
0x52: {  	_ =	shalt  }
0x53: {  	_ =	shalt  }
0x54: {  	_ =	shalt  }
0x55: {  	_ =	shalt  }
0x56: {  	_ =	shalt  }
0x57: {  	_ =	shalt  }
0x58: {  	_ =	shalt  }
0x59: {  	_ =	shalt  }
0x5a: {  	_ =	shalt  }
0x5b: {  	_ =	shalt  }
0x5c: {  	_ =	shalt  }
0x5d: {  	_ =	shalt  }
0x5e: {  	_ =	shalt  }
0x5f: {  	_ =	shalt  }
0x60: {  	_ =	shalt  }
0x61: {  	_ =	shalt  }
0x62: {  	_ =	shalt  }
0x63: {  	_ =	shalt  }
0x64: {  	_ =	shalt  }
0x65: {  	_ =	shalt  }
0x66: {  	_ =	shalt  }
0x67: {  	_ =	shalt  }
0x68: {  	_ =	shalt  }
0x69: {  	_ =	shalt  }
0x6a: {  	_ =	shalt  }
0x6b: {  	_ =	shalt  }
0x6c: {  	_ =	shalt  }
0x6d: {  	_ =	shalt  }
0x6e: {  	_ =	shalt  }
0x6f: {  	_ =	shalt  }
0x70: {  	_ =	shalt  }
0x71: {  	_ =	shalt  }
0x72: {  	_ =	shalt  }
0x73: {  	_ =	shalt  }
0x74: {  	_ =	shalt  }
0x75: {  	_ =	shalt  }
0x76: {  	_ =	shalt  }
0x77: {  	_ =	shalt  }
0x78: {  	_ =	shalt  }
0x79: {  	_ =	shalt  }
0x7a: {  	_ =	shalt  }
0x7b: {  	_ =	shalt  }
0x7c: {  	_ =	shalt  }
0x7d: {  	_ =	shalt  }
0x7e: {  	_ =	shalt  }
0x7f: {  	_ =	shalt  }
0x80: {  	_ =	shalt  }
0x81: {  	_ =	shalt  }
0x82: {  	_ =	shalt  }
0x83: {  	_ =	shalt  }
0x84: {  	_ =	shalt  }
0x85: {  	_ =	shalt  }
0x86: {  	_ =	shalt  }
0x87: {  	_ =	shalt  }
.Lfunc_end0:
.L_simem_size_0:
called_computation_lowered:
.L_overlay_start_0:
0x88: {  	s2 =	sld [smem:$0x3FD9]  }
0x89: {  	s3 =	sld [smem:$0x3FFE];
	_ =	sdelay $0x1  }
0x8a: {  	s1 =	srdreg.scid  }
0x8b: {  	s0 =	sand.u32 $0x1, s1  }
0x8c: {  	s14 =	sshll.u32 s0, $0xA;
	s2 =	sadd.s32 s3, s2  }
0x8d: {  	s2 =	sadd.s32 s2, s14  }
0x8e: {  	[smem:$0x3FB9] =	sst s2  }
0x8f: {  	_ = 	snop  }
0x90: {  	s2 =	sld [smem:$0x3FD0];
	_ =	sdelay $0x2  }
0x91: {  	s15 =	simm.s32 $0xA;
	s4 =	simm.s32 $0x10  }
0x92: {  	[smem:s4], [sflag:s15] =	dma.local [hbm:s2], $0x1  }
0x93: {  	_ =	swait.eq [sflag:s15], $0x1  }
0x94: {  	[sflag:s15] =	ssyncset.done $0x0  }
0x95: {  	s16 =	sld [smem:$0x10];
	[sflag:s15] =	ssyncadd.s32 $0xFFFFFFFF  }
0x96: {  	s17 =	sld [smem:$0x11];
	(tm) =	ssettm $0x1  }
0x97: {  	s18 =	sld [smem:$0x3FFB];
	_ =	sdelay $0x3  }
0x98: {  	_ =	strace s18  }
0x99: {  	s4 =	sld [smem:$0x3FFC];
	_ =	sdelay $0x3  }
0x9a: {  	_ =	strace s4  }
0x9b: {  	s4 =	sld [smem:$0x3FFD];
	_ =	sdelay $0x3  }
0x9c: {  	_ =	strace s4  }
0x9d: {  	_ =	strace $0x8FFFFFFF  }
0x9e: {  	s19 =	sld [smem:$0x3FDB];
	_ =	sdelay $0x1  }
0x9f: {  	s5 =	simm.s32 $_scs_section_size  }
0xa0: {  	s6 =	simm.s32 $_size__tile_overlayer_lowered;
	s7 =	simm.s32 $_tile_overlayer_lowered  }
0xa1: {  	s22 =	simm.s32 $0x1BFF;
	s21 =	sshll.u32 s7, $0x1;
	s4 =	sadd.s32 s5, s19  }
0xa2: {  	s8 =	simm.s32 $0x0;
	s20 =	sshll.u32 s6, $0x1;
	s6 =	sadd.s32 s21, s4  }
0xa3: {  	[timem:s8], [sflag:s22] =	dma.local [hbm:s6], s20  }
0xa4: {  	_ =	swait.ge [sflag:s22], s20  }
0xa5: {  	s5 =	ssub.s32 $0x0, s20;
	[sflag:s22] =	ssyncset.done $0x0  }
0xa6: {  	[sflag:s22] =	ssyncadd.s32 s5;
	_ =	sdelay $0x1  }
0xa7: {  	s23 =	simm.s32 $0x1B8B  }
0xa8: {  	_ =	swait.ge [sflag:s23], $0x1  }
0xa9: {  	[sflag:s23] =	ssyncset.done $0x0  }
0xaa: {  	s25 =	simm.s32 $0x1B8E;
	s24 =	sld [smem:$0x3FFE];
	[sflag:s23] =	ssyncadd.s32 $0xFFFFFFFF  }
0xab: {  	s26 =	simm.s32 $execute0_lowered;
	[smem:$0x3FD2] =	sst s25  }
0xac: {  	s6 =	sshll.u32 s26, $0x1;
	_ =	strace $0x80000046;
	[dreg:$0x1] =	wrdreg $0xFFFFFFFF  }
0xad: {  	s28 =	simm.s32 $_size_execute0_lowered;
	s4 =	sadd.s32 s4, s6;
	[dreg:$0x0] =	wrdreg $0x0  }
0xae: {  	s6 =	sshll.u32 s28, $0x1;
	[dreg:$0x2] =	wrdreg s4  }
0xaf: {  	[dreg:$0x3] =	wrdreg s6  }
0xb0: {  	[dreg:$0x4] =	wrdreg $0xC0  }
0xb1: {  	_ =	task [dreg:s8], $0x5FFFF  }
0xb2: {  	[dreg:$0x1] =	wrdreg $0xFFFFFFFF  }
0xb3: {  	[dreg:$0x0] =	wrdreg $0x60  }
0xb4: {  	[dreg:$0x2] =	wrdreg s24  }
0xb5: {  	[dreg:$0x3] =	wrdreg s16  }
0xb6: {  	[dreg:$0x4] =	wrdreg s17  }
0xb7: {  	[dreg:$0x5] =	wrdreg $0x9  }
0xb8: {  	_ =	task.clear_ibuf [dreg:s8], $0x6FFFF;
	_ =	strace $0x90000046  }
0xb9: {  	s29 =	simm.s32 $0x9;
	_ =	strace $0x80000048  }
0xba: {  	_ =	swait.ge [sflag:s29], $0x1  }
0xbb: {  	[sflag:s29] =	ssyncadd.s32 $0xFFFFFFFF  }
0xbc: {  	_ =	strace $0x90000048  }
0xbd: {  	_ =	sfence  }
0xbe: {  	s30 =	sld [smem:$0x0];
	_ =	sdelay $0x2  }
0xbf: {  	s31 =	sshll.u32 s1, $0xD;
	s1 =	sshrl.u32 s1, $0x2  }
0xc0: {  	s3 =	sand.u32 $0x4000, s31;
	s1 =	sadd.s32 s1, s30  }
0xc1: {  	s0 =	sor.u32 s3, s0;
	s1 =	sshll.u32 s1, $0x11  }
0xc2: {  	s0 =	sor.u32 s1, s0  }
0xc3: {  	s0 =	sadd.s32 $0x8F2B, s0  }
0xc4: {  	[sflag:s0] =	ssyncadd.remote.s32 $0x1  }
0xc5: {  	_ =	sfence.sel $0xFFFF  }
0xc6: {  	[dreg:$0x0] =	wrdreg $0xFFFFFFFF;
	(pc) =	sbr.abs _section_cstart, $3  }
0xc7: {  	[dreg:$0x1] =	wrdreg $0xFFFFFFFF  }
0xc8: {  	_ =	task.clear_ibuf [dreg:s8], $0x2FFFF;
	_ =	strace $0x9FFFFFFF  }
0xc9: {  	(tm) =	ssettm $0x7FFFFFFF  }
tec
execute0_lowered:
.L_overlay_start_1:
0x0: {  	(tag) =	ssettag $0x1  }
0x1: {  	s0 =	rddreg [dreg:$0x0]  }
0x2: {  	s2 =	srdreg.scid;
	s3 =	stileid.u32  }
0x3: {  	s1 =	rddreg [dreg:$0x1];
	s4 =	sand.u32 $0x1, s2;
	s3 =	sshll.u32 s3, $0x1  }
0x4: {  	s17 =	rddreg [dreg:$0x2];
	s25 =	sor.u32 s4, s3  }
0x5: {  	s28 =	simm.s32 $0x16800;
	s29 =	simm.s32 $0x17200;
	s5 =	smul.u32 $0x5, s25  }
0x6: {  	s31 =	simm.s32 $0x0;
	s2 =	simm.s32 $0x0;
	s6 =	smul.u32 $0xFA, s25  }
0x7: {  	s18 =	sadd.s32 $0x10E00, s0;
	[smem:$0x7FF] =	sst s2;
	s7 =	smul.u32 $0xC80, s25  }
0x8: {  	s3 =	sadd.s32 $0x2A00, s0;
	s4 =	ssub.s32 $0x2, s4;
	s19 =	smul.u32 $0x640, s25  }
0x9: {  	_ =	strace $0x80000047;
	s22 =	sshrl.u32 s4, $0x1;
	s20 =	smul.u32 $0x7D0, s25  }
0xa: {  	p0 =	sgt.u32 s25, $0x18;
	s25 =	simm.s32 $0xC800;
	s21 =	ssub.s32 s4, s22  }
0xb: {  	s22 =	simm.s32 $0x2;
	s8 =	sadd.s32 $0x1, s5;
	s0 =	sadd.s32 s6, s0  }
0xc: {  	s4 =	sadd.s32 s1, s7;
	s6 =	sadd.s32 s17, s19;
	s7 =	sadd.s32 s18, s19  }
0xd: {  	s24 =	sadd.s32 $0x280, s19;
	s26 =	sadd.s32 $0x3C0, s19;
	s30 =	sadd.s32 $0x500, s19  }
0xe: {  	s19 =	sadd.s32 s3, s20;
	s21 =	smax.u32 s21, $0x1;
	s9 =	smul.u32 $0x280, s8  }
0xf: {  	s23 =	smul.u32 $0x140, s8;
	s8 =	sadd.s32 $0x500, s4;
	s11 =	sadd.s32 $0x780, s4  }
.Ltmp0:
0x10: {  	s12 =	sadd.s32 s17, s24;
	s13 =	sadd.s32 s18, s24;
	(pc) =	sbr.rel .LBB2_1-.Ltmp0, $4  }
0x11: {  	v0 =	vlaneseq.u32;
	s14 =	sadd.s32 $0xA00, s4;
	s15 =	sadd.s32 s17, s26;
	s16 =	sadd.s32 s18, s26  }
0x12: {  	v0 =	vmul.u32 $0x8, v0;
	s20 =	sadd.s32 $0xEE00, s0;
	s24 =	simm.s32 $0x2800;
	s26 =	simm.s32 $0x1  }
0x13: {  	s5 =	sadd.s32 s1, s9;
	s9 =	sadd.s32 s17, s23;
	s10 =	sadd.s32 s18, s23  }
0x14: {  	v1 =	vor.u32 $0x5000, v0;
	s17 =	sadd.s32 s17, s30;
	s18 =	sadd.s32 s18, s30;
	s23 =	simm.s32 $0x1400  }
.LBB2_14:
0x15: {  	_ = 	snop  }
0x16: {  	v6 =	vor.u32 $0x1, v2;
	v4 =	vadd.f32 v5, v4  }
0x17: {  	v62 =	vor.u32 $0x4, v2;
	s0 =	sadd.s32 $0x10, s0  }
0x18: {  	v7 =	vor.u32 $0x2, v2;
	[tilespmem:s0+$0x0] =	vst v4  }
0x19: {  	v63 =	vor.u32 $0x5, v2;
	v3 =	vld.idx.msk [tilespmem:v3+s24+$0x0], $0xffff  }
0x1a: {  	v2 =	vld.idx.msk [tilespmem:v2+s24+$0x0], $0xffff  }
0x1b: {  	v6 =	vld.idx.msk [tilespmem:v6+s24+$0x0], $0xffff  }
0x1c: {  	v5 =	vld.idx.msk [tilespmem:v62+s24+$0x0], $0xffff  }
0x1d: {  	v7 =	vld.idx.msk [tilespmem:v7+s24+$0x0], $0xffff  }
0x1e: {  	v4 =	vld.idx.msk [tilespmem:v63+s24+$0x0], $0xffff;
	_ =	sdelay $0x2  }
0x1f: {  	v2 =	vsub.f32 v2, v3;
	v3 =	vsub.f32 v6, v5;
	_ =	sdelay $0x1  }
0x20: {  	v2 =	vmul.f32 v2, v2;
	v4 =	vsub.f32 v7, v4;
	v3 =	vmul.f32 v3, v3;
	_ =	sdelay $0x1  }
0x21: {  	v2 =	vadd.f32 v3, v2;
	v3 =	vmul.f32 v4, v4;
	_ =	sdelay $0x1  }
0x22: {  	v2 =	vadd.f32 v3, v2  }
0x23: {  	s0 =	sadd.s32 $0x10, s0  }
0x24: {  	s30 =	simm.s32 $0x17C00;
	[tilespmem:s0+$0x0] =	vst v2  }
0x25: {  	[hbm4b:s20+s2] =	stream.linear.scatter [tilespmem:s30], [sflag:$0x2], $0x7D0, $0x38;
	[tilespmem:$0x183D0] =	vst v63  }
0x26: {  	_ =	swait.ge [sflag:s22], $0x7D0  }
0x27: {  	[sflag:s22] =	ssyncset.done $0x0  }
0x28: {  	[sflag:s22] =	ssyncadd.s32 $0xFFFFF830  }
.LBB2_15:
0x29: {  	s31 =	sadd.s32 $0x1, s31  }
0x2a: {  	p1 =	sne.s32 s31, s21  }
.Ltmp1:
0x2b: {  	_ = 	snop;
	(pc) =	sbr.rel @!p1 .LBB2_16-.Ltmp1, $1  }
0x2c: {  	_ =	sdelay $0x3  }
.LBB2_1:
0x2d: {  	[tilespmem:s2], [sflag:$0x2] =	stream.linear.gather [hbm4b:s4+s2], $0x1400, $0x38;
	[tilespmem:$0x183D0] =	vst v63  }
0x2e: {  	_ =	swait.ge [sflag:s22], $0x1400  }
0x2f: {  	[sflag:s22] =	ssyncset.done $0x0  }
0x30: {  	[sflag:s22] =	ssyncadd.s32 $0xFFFFEC00  }
0x31: {  	[tilespmem:s24], [sflag:$0x1] =	stream.indirect.gather [hbm4b:s3+s23], $0x8, s2, s23, $0xb8;
	[tilespmem:$0x183D0] =	vst v63  }
0x32: {  	_ = 	snop  }
0x33: {  	v2 =	vmov s2;
	[tilespmem:s23], [sflag:$0x2] =	stream.linear.gather [hbm4b:s5+s2], $0x1400, $0x38;
	[tilespmem:$0x183D0] =	vst v63  }
0x34: {  	v2 =	vshll.u32 v2, $0x3;
	_ =	swait.ge [sflag:s22], $0x1400  }
0x35: {  	v3 =	vadd.s32 v1, v2;
	[sflag:s22] =	ssyncset.done $0x0  }
0x36: {  	v2 =	vor.u32 v0, v2;
	v4 =	vor.u32 $0x5, v3;
	[sflag:s22] =	ssyncadd.s32 $0xFFFFEC00  }
0x37: {  	v5 =	vor.u32 $0x2, v2;
	[tilespmem:s25], [sflag:$0x1] =	stream.indirect.gather [hbm4b:s3+s23], $0x8, s23, s23, $0xb8;
	[tilespmem:$0x183D0] =	vst v63  }
0x38: {  	v6 =	vor.u32 $0x3, v3;
	_ =	swait.ge [sflag:s26], $0xA000  }
0x39: {  	v7 =	vor.u32 $0x3, v2;
	[sflag:s26] =	ssyncset.done $0x0  }
0x3a: {  	v8 =	vor.u32 $0x4, v3;
	[sflag:s26] =	ssyncadd.s32 $0xFFFF6000  }
0x3b: {  	v4 =	vld.idx.msk [tilespmem:v4+s24+$0x0], $0xffff  }
0x3c: {  	v5 =	vld.idx.msk [tilespmem:v5+s24+$0x0], $0xffff  }
0x3d: {  	v9 =	vor.u32 $0x1, v2;
	v6 =	vld.idx.msk [tilespmem:v6+s24+$0x0], $0xffff  }
0x3e: {  	v10 =	vor.u32 $0x1, v3;
	v7 =	vld.idx.msk [tilespmem:v7+s24+$0x0], $0xffff  }
0x3f: {  	v11 =	vor.u32 $0x4, v2;
	v8 =	vld.idx.msk [tilespmem:v8+s24+$0x0], $0xffff  }
0x40: {  	v12 =	vld.idx.msk [tilespmem:v3+s24+$0x0], $0xffff;
	v3 =	vor.u32 $0x2, v3  }
0x41: {  	v13 =	vld.idx.msk [tilespmem:v2+s24+$0x0], $0xffff;
	v2 =	vor.u32 $0x5, v2  }
0x42: {  	v9 =	vld.idx.msk [tilespmem:v9+s24+$0x0], $0xffff  }
0x43: {  	v10 =	vld.idx.msk [tilespmem:v10+s24+$0x0], $0xffff  }
0x44: {  	v11 =	vld.idx.msk [tilespmem:v11+s24+$0x0], $0xffff  }
0x45: {  	v3 =	vld.idx.msk [tilespmem:v3+s24+$0x0], $0xffff  }
0x46: {  	s0 =	simm.s32 $0x10;
	v14 =	vld.idx.msk [tilespmem:v2+s24+$0x0], $0xffff  }
0x47: {  	v2 =	vmov s0  }
0x48: {  	v12 =	vsub.f32 v13, v12;
	v9 =	vsub.f32 v9, v10;
	v15 =	vshll.u32 v2, $0x3  }
0x49: {  	v6 =	vsub.f32 v7, v6;
	v7 =	vsub.f32 v11, v8;
	v2 =	vor.u32 v0, v15  }
0x4a: {  	v8 =	vmul.f32 v12, v12;
	v9 =	vmul.f32 v9, v9;
	v3 =	vsub.f32 v5, v3  }
0x4b: {  	v6 =	vmul.f32 v6, v6;
	v7 =	vmul.f32 v7, v7;
	v4 =	vsub.f32 v14, v4  }
0x4c: {  	v8 =	vadd.f32 v9, v8;
	v5 =	vadd.s32 v1, v15;
	v3 =	vmul.f32 v3, v3  }
0x4d: {  	v6 =	vadd.f32 v7, v6;
	v9 =	vor.u32 $0x5, v5;
	v4 =	vmul.f32 v4, v4  }
0x4e: {  	v10 =	vor.u32 $0x2, v2;
	v3 =	vadd.f32 v3, v8  }
0x4f: {  	v4 =	vadd.f32 v4, v6;
	v6 =	vor.u32 $0x3, v5  }
0x50: {  	v7 =	vor.u32 $0x3, v2;
	[tilespmem:s28+$0x0] =	vst v3  }
0x51: {  	v8 =	vor.u32 $0x4, v5;
	[tilespmem:s29+$0x0] =	vst v4  }
0x52: {  	v3 =	vld.idx.msk [tilespmem:v9+s24+$0x0], $0xffff  }
0x53: {  	s30 =	simm.s32 $0x20;
	s1 =	simm.s32 $0x16800;
	s0 =	simm.s32 $0x17200;
	v4 =	vld.idx.msk [tilespmem:v10+s24+$0x0], $0xffff  }
.LBB2_2:
0x54: {  	p1 =	sne.s32 s30, $0x9F0;
	v9 =	vor.u32 $0x1, v2;
	v6 =	vld.idx.msk [tilespmem:v6+s24+$0x0], $0xffff  }
0x55: {  	v10 =	vor.u32 $0x1, v5;
	v7 =	vld.idx.msk [tilespmem:v7+s24+$0x0], $0xffff  }
0x56: {  	v11 =	vor.u32 $0x4, v2;
	v8 =	vld.idx.msk [tilespmem:v8+s24+$0x0], $0xffff  }
0x57: {  	v12 =	vld.idx.msk [tilespmem:v5+s24+$0x0], $0xffff;
	v5 =	vor.u32 $0x2, v5  }
0x58: {  	v13 =	vld.idx.msk [tilespmem:v2+s24+$0x0], $0xffff;
	v2 =	vor.u32 $0x5, v2  }
0x59: {  	v9 =	vld.idx.msk [tilespmem:v9+s24+$0x0], $0xffff  }
0x5a: {  	v10 =	vld.idx.msk [tilespmem:v10+s24+$0x0], $0xffff  }
0x5b: {  	v11 =	vld.idx.msk [tilespmem:v11+s24+$0x0], $0xffff  }
0x5c: {  	v5 =	vld.idx.msk [tilespmem:v5+s24+$0x0], $0xffff  }
0x5d: {  	v14 =	vld.idx.msk [tilespmem:v2+s24+$0x0], $0xffff;
	_ =	sdelay $0x1  }
0x5e: {  	v2 =	vmov s30  }
0x5f: {  	v12 =	vsub.f32 v13, v12;
	v15 =	vshll.u32 v2, $0x3;
	v9 =	vsub.f32 v9, v10  }
0x60: {  	v6 =	vsub.f32 v7, v6;
	v2 =	vor.u32 v0, v15;
	v7 =	vsub.f32 v11, v8  }
0x61: {  	v8 =	vmul.f32 v12, v12;
	v9 =	vmul.f32 v9, v9;
	v4 =	vsub.f32 v4, v5  }
0x62: {  	v6 =	vmul.f32 v6, v6;
	v7 =	vmul.f32 v7, v7;
	v3 =	vsub.f32 v14, v3  }
0x63: {  	v5 =	vadd.s32 v1, v15;
	v8 =	vadd.f32 v9, v8;
	v4 =	vmul.f32 v4, v4  }
0x64: {  	v9 =	vor.u32 $0x5, v5;
	v7 =	vadd.f32 v7, v6;
	v3 =	vmul.f32 v3, v3  }
0x65: {  	v10 =	vor.u32 $0x2, v2;
	v4 =	vadd.f32 v4, v8  }
.Ltmp2:
0x66: {  	s1 =	sadd.s32 $0x10, s1;
	v6 =	vor.u32 $0x3, v5;
	v3 =	vadd.f32 v3, v7;
	(pc) =	sbr.rel @p1 .LBB2_2-.Ltmp2, $4  }
0x67: {  	s0 =	sadd.s32 $0x10, s0;
	v7 =	vor.u32 $0x3, v2;
	[tilespmem:s1+$0x0] =	vst v4  }
0x68: {  	v8 =	vor.u32 $0x4, v5;
	[tilespmem:s0+$0x0] =	vst v3  }
0x69: {  	v3 =	vld.idx.msk [tilespmem:v9+s24+$0x0], $0xffff  }
0x6a: {  	s30 =	sadd.s32 $0x10, s30;
	v4 =	vld.idx.msk [tilespmem:v10+s24+$0x0], $0xffff  }
0x6b: {  	_ =	sdelay $0x3  }
0x6c: {  	v9 =	vor.u32 $0x1, v2;
	v6 =	vld.idx.msk [tilespmem:v6+s24+$0x0], $0xffff  }
0x6d: {  	v10 =	vor.u32 $0x1, v5;
	v7 =	vld.idx.msk [tilespmem:v7+s24+$0x0], $0xffff  }
0x6e: {  	v11 =	vor.u32 $0x4, v2;
	v8 =	vld.idx.msk [tilespmem:v8+s24+$0x0], $0xffff  }
0x6f: {  	v12 =	vld.idx.msk [tilespmem:v5+s24+$0x0], $0xffff;
	v5 =	vor.u32 $0x2, v5  }
0x70: {  	v13 =	vld.idx.msk [tilespmem:v2+s24+$0x0], $0xffff;
	v2 =	vor.u32 $0x5, v2  }
0x71: {  	v9 =	vld.idx.msk [tilespmem:v9+s24+$0x0], $0xffff  }
0x72: {  	v10 =	vld.idx.msk [tilespmem:v10+s24+$0x0], $0xffff  }
0x73: {  	v11 =	vld.idx.msk [tilespmem:v11+s24+$0x0], $0xffff  }
0x74: {  	v5 =	vld.idx.msk [tilespmem:v5+s24+$0x0], $0xffff  }
0x75: {  	v2 =	vld.idx.msk [tilespmem:v2+s24+$0x0], $0xffff;
	_ =	sdelay $0x1  }
0x76: {  	v12 =	vsub.f32 v13, v12;
	v9 =	vsub.f32 v9, v10  }
0x77: {  	v6 =	vsub.f32 v7, v6;
	v7 =	vsub.f32 v11, v8  }
0x78: {  	v8 =	vmul.f32 v12, v12;
	v4 =	vsub.f32 v4, v5;
	v9 =	vmul.f32 v9, v9  }
0x79: {  	v5 =	vmul.f32 v6, v6;
	v2 =	vsub.f32 v2, v3;
	v6 =	vmul.f32 v7, v7  }
0x7a: {  	v4 =	vmul.f32 v4, v4;
	v3 =	vadd.f32 v9, v8  }
0x7b: {  	v2 =	vmul.f32 v2, v2;
	v5 =	vadd.f32 v6, v5  }
0x7c: {  	v3 =	vadd.f32 v4, v3  }
0x7d: {  	s1 =	sadd.s32 $0x10, s1;
	v2 =	vadd.f32 v2, v5  }
0x7e: {  	s0 =	sadd.s32 $0x10, s0;
	[tilespmem:s1+$0x0] =	vst v3  }
0x7f: {  	s30 =	simm.s32 $0x0;
	s1 =	simm.s32 $0x16800;
	[tilespmem:s0+$0x0] =	vst v2  }
0x80: {  	[hbm4b:s6+s30] =	stream.linear.scatter [tilespmem:s1], [sflag:$0x2], $0xA00, $0x38;
	[tilespmem:$0x183D0] =	vst v63  }
0x81: {  	_ =	swait.ge [sflag:s22], $0xA00  }
0x82: {  	[sflag:s22] =	ssyncset.done $0x0  }
0x83: {  	s0 =	simm.s32 $0x17200;
	[sflag:s22] =	ssyncadd.s32 $0xFFFFF600  }
0x84: {  	[hbm4b:s7+s30] =	stream.linear.scatter [tilespmem:s0], [sflag:$0x2], $0xA00, $0x38;
	[tilespmem:$0x183D0] =	vst v63  }
0x85: {  	_ =	swait.ge [sflag:s22], $0xA00  }
0x86: {  	[sflag:s22] =	ssyncset.done $0x0  }
0x87: {  	[sflag:s22] =	ssyncadd.s32 $0xFFFFF600  }
0x88: {  	v2 =	vmov s30;
	[tilespmem:s30], [sflag:$0x2] =	stream.linear.gather [hbm4b:s8+s30], $0x1400, $0x38;
	[tilespmem:$0x183D0] =	vst v63  }
0x89: {  	v2 =	vshll.u32 v2, $0x3;
	_ =	swait.ge [sflag:s22], $0x1400  }
0x8a: {  	v3 =	vadd.s32 v1, v2;
	[sflag:s22] =	ssyncset.done $0x0  }
0x8b: {  	v2 =	vor.u32 v0, v2;
	v4 =	vor.u32 $0x5, v3;
	[sflag:s22] =	ssyncadd.s32 $0xFFFFEC00  }
0x8c: {  	v5 =	vor.u32 $0x2, v2;
	[tilespmem:s24], [sflag:$0x1] =	stream.indirect.gather [hbm4b:s3+s23], $0x8, s30, s23, $0xb8;
	[tilespmem:$0x183D0] =	vst v63  }
0x8d: {  	v6 =	vor.u32 $0x3, v3;
	_ =	swait.ge [sflag:s26], $0xA000  }
0x8e: {  	v7 =	vor.u32 $0x3, v2;
	[sflag:s26] =	ssyncset.done $0x0  }
0x8f: {  	v8 =	vor.u32 $0x4, v3;
	[sflag:s26] =	ssyncadd.s32 $0xFFFF6000  }
0x90: {  	v4 =	vld.idx.msk [tilespmem:v4+s25+$0x0], $0xffff  }
0x91: {  	v5 =	vld.idx.msk [tilespmem:v5+s25+$0x0], $0xffff  }
0x92: {  	v9 =	vor.u32 $0x1, v2;
	v6 =	vld.idx.msk [tilespmem:v6+s25+$0x0], $0xffff  }
0x93: {  	v10 =	vor.u32 $0x1, v3;
	v7 =	vld.idx.msk [tilespmem:v7+s25+$0x0], $0xffff  }
0x94: {  	v11 =	vor.u32 $0x4, v2;
	v8 =	vld.idx.msk [tilespmem:v8+s25+$0x0], $0xffff  }
0x95: {  	v62 =	vld.idx.msk [tilespmem:v3+s25+$0x0], $0xffff;
	v3 =	vor.u32 $0x2, v3  }
0x96: {  	v63 =	vld.idx.msk [tilespmem:v2+s25+$0x0], $0xffff;
	v2 =	vor.u32 $0x5, v2  }
0x97: {  	v9 =	vld.idx.msk [tilespmem:v9+s25+$0x0], $0xffff  }
0x98: {  	v10 =	vld.idx.msk [tilespmem:v10+s25+$0x0], $0xffff  }
0x99: {  	v11 =	vld.idx.msk [tilespmem:v11+s25+$0x0], $0xffff  }
0x9a: {  	v3 =	vld.idx.msk [tilespmem:v3+s25+$0x0], $0xffff  }
0x9b: {  	s30 =	simm.s32 $0x10;
	v14 =	vld.idx.msk [tilespmem:v2+s25+$0x0], $0xffff  }
0x9c: {  	v2 =	vmov s30  }
0x9d: {  	v12 =	vsub.f32 v63, v62;
	v9 =	vsub.f32 v9, v10;
	v15 =	vshll.u32 v2, $0x3  }
0x9e: {  	v6 =	vsub.f32 v7, v6;
	v7 =	vsub.f32 v11, v8;
	v2 =	vor.u32 v0, v15  }
0x9f: {  	v8 =	vmul.f32 v12, v12;
	v9 =	vmul.f32 v9, v9;
	v3 =	vsub.f32 v5, v3  }
0xa0: {  	v6 =	vmul.f32 v6, v6;
	v7 =	vmul.f32 v7, v7;
	v4 =	vsub.f32 v14, v4  }
0xa1: {  	v8 =	vadd.f32 v9, v8;
	v5 =	vadd.s32 v1, v15;
	v3 =	vmul.f32 v3, v3  }
0xa2: {  	v6 =	vadd.f32 v7, v6;
	v9 =	vor.u32 $0x5, v5;
	v4 =	vmul.f32 v4, v4  }
0xa3: {  	v10 =	vor.u32 $0x2, v2;
	v3 =	vadd.f32 v3, v8  }
0xa4: {  	v4 =	vadd.f32 v4, v6;
	v6 =	vor.u32 $0x3, v5  }
0xa5: {  	v7 =	vor.u32 $0x3, v2;
	[tilespmem:s1+$0x0] =	vst v3  }
0xa6: {  	v8 =	vor.u32 $0x4, v5;
	[tilespmem:s0+$0x0] =	vst v4  }
0xa7: {  	v3 =	vld.idx.msk [tilespmem:v9+s25+$0x0], $0xffff  }
0xa8: {  	s30 =	simm.s32 $0x20;
	v4 =	vld.idx.msk [tilespmem:v10+s25+$0x0], $0xffff  }
.LBB2_4:
0xa9: {  	p1 =	sne.s32 s30, $0x9F0;
	v9 =	vor.u32 $0x1, v2;
	v6 =	vld.idx.msk [tilespmem:v6+s25+$0x0], $0xffff  }
0xaa: {  	v10 =	vor.u32 $0x1, v5;
	v7 =	vld.idx.msk [tilespmem:v7+s25+$0x0], $0xffff  }
0xab: {  	v11 =	vor.u32 $0x4, v2;
	v8 =	vld.idx.msk [tilespmem:v8+s25+$0x0], $0xffff  }
0xac: {  	v12 =	vld.idx.msk [tilespmem:v5+s25+$0x0], $0xffff;
	v5 =	vor.u32 $0x2, v5  }
0xad: {  	v13 =	vld.idx.msk [tilespmem:v2+s25+$0x0], $0xffff;
	v2 =	vor.u32 $0x5, v2  }
0xae: {  	v9 =	vld.idx.msk [tilespmem:v9+s25+$0x0], $0xffff  }
0xaf: {  	v10 =	vld.idx.msk [tilespmem:v10+s25+$0x0], $0xffff  }
0xb0: {  	v11 =	vld.idx.msk [tilespmem:v11+s25+$0x0], $0xffff  }
0xb1: {  	v5 =	vld.idx.msk [tilespmem:v5+s25+$0x0], $0xffff  }
0xb2: {  	v14 =	vld.idx.msk [tilespmem:v2+s25+$0x0], $0xffff;
	_ =	sdelay $0x1  }
0xb3: {  	v2 =	vmov s30  }
0xb4: {  	v12 =	vsub.f32 v13, v12;
	v15 =	vshll.u32 v2, $0x3;
	v9 =	vsub.f32 v9, v10  }
0xb5: {  	v6 =	vsub.f32 v7, v6;
	v2 =	vor.u32 v0, v15;
	v7 =	vsub.f32 v11, v8  }
0xb6: {  	v8 =	vmul.f32 v12, v12;
	v9 =	vmul.f32 v9, v9;
	v4 =	vsub.f32 v4, v5  }
0xb7: {  	v6 =	vmul.f32 v6, v6;
	v7 =	vmul.f32 v7, v7;
	v3 =	vsub.f32 v14, v3  }
0xb8: {  	v5 =	vadd.s32 v1, v15;
	v8 =	vadd.f32 v9, v8;
	v4 =	vmul.f32 v4, v4  }
0xb9: {  	v9 =	vor.u32 $0x5, v5;
	v7 =	vadd.f32 v7, v6;
	v3 =	vmul.f32 v3, v3  }
0xba: {  	v10 =	vor.u32 $0x2, v2;
	v4 =	vadd.f32 v4, v8  }
.Ltmp3:
0xbb: {  	s1 =	sadd.s32 $0x10, s1;
	v6 =	vor.u32 $0x3, v5;
	v3 =	vadd.f32 v3, v7;
	(pc) =	sbr.rel @p1 .LBB2_4-.Ltmp3, $4  }
0xbc: {  	s0 =	sadd.s32 $0x10, s0;
	v7 =	vor.u32 $0x3, v2;
	[tilespmem:s1+$0x0] =	vst v4  }
0xbd: {  	v8 =	vor.u32 $0x4, v5;
	[tilespmem:s0+$0x0] =	vst v3  }
0xbe: {  	v3 =	vld.idx.msk [tilespmem:v9+s25+$0x0], $0xffff  }
0xbf: {  	s30 =	sadd.s32 $0x10, s30;
	v4 =	vld.idx.msk [tilespmem:v10+s25+$0x0], $0xffff  }
0xc0: {  	_ =	sdelay $0x3  }
0xc1: {  	v9 =	vor.u32 $0x1, v2;
	v6 =	vld.idx.msk [tilespmem:v6+s25+$0x0], $0xffff  }
0xc2: {  	v10 =	vor.u32 $0x1, v5;
	v7 =	vld.idx.msk [tilespmem:v7+s25+$0x0], $0xffff  }
0xc3: {  	v11 =	vor.u32 $0x4, v2;
	v8 =	vld.idx.msk [tilespmem:v8+s25+$0x0], $0xffff  }
0xc4: {  	v12 =	vld.idx.msk [tilespmem:v5+s25+$0x0], $0xffff;
	v5 =	vor.u32 $0x2, v5  }
0xc5: {  	v13 =	vld.idx.msk [tilespmem:v2+s25+$0x0], $0xffff;
	v2 =	vor.u32 $0x5, v2  }
0xc6: {  	v9 =	vld.idx.msk [tilespmem:v9+s25+$0x0], $0xffff  }
0xc7: {  	v10 =	vld.idx.msk [tilespmem:v10+s25+$0x0], $0xffff  }
0xc8: {  	v11 =	vld.idx.msk [tilespmem:v11+s25+$0x0], $0xffff  }
0xc9: {  	v5 =	vld.idx.msk [tilespmem:v5+s25+$0x0], $0xffff  }
0xca: {  	v2 =	vld.idx.msk [tilespmem:v2+s25+$0x0], $0xffff;
	_ =	sdelay $0x1  }
0xcb: {  	v12 =	vsub.f32 v13, v12;
	v9 =	vsub.f32 v9, v10  }
0xcc: {  	v6 =	vsub.f32 v7, v6;
	v7 =	vsub.f32 v11, v8  }
0xcd: {  	v8 =	vmul.f32 v12, v12;
	v4 =	vsub.f32 v4, v5;
	v9 =	vmul.f32 v9, v9  }
0xce: {  	v5 =	vmul.f32 v6, v6;
	v2 =	vsub.f32 v2, v3;
	v6 =	vmul.f32 v7, v7  }
0xcf: {  	v4 =	vmul.f32 v4, v4;
	v3 =	vadd.f32 v9, v8  }
0xd0: {  	v2 =	vmul.f32 v2, v2;
	v5 =	vadd.f32 v6, v5  }
0xd1: {  	v3 =	vadd.f32 v4, v3  }
0xd2: {  	s1 =	sadd.s32 $0x10, s1;
	v2 =	vadd.f32 v2, v5  }
0xd3: {  	s0 =	sadd.s32 $0x10, s0;
	[tilespmem:s1+$0x0] =	vst v3  }
0xd4: {  	s30 =	simm.s32 $0x0;
	s1 =	simm.s32 $0x16800;
	[tilespmem:s0+$0x0] =	vst v2  }
0xd5: {  	[hbm4b:s9+s30] =	stream.linear.scatter [tilespmem:s1], [sflag:$0x2], $0xA00, $0x38;
	[tilespmem:$0x183D0] =	vst v63  }
0xd6: {  	_ =	swait.ge [sflag:s22], $0xA00  }
0xd7: {  	[sflag:s22] =	ssyncset.done $0x0  }
0xd8: {  	s0 =	simm.s32 $0x17200;
	[sflag:s22] =	ssyncadd.s32 $0xFFFFF600  }
0xd9: {  	[hbm4b:s10+s30] =	stream.linear.scatter [tilespmem:s0], [sflag:$0x2], $0xA00, $0x38;
	[tilespmem:$0x183D0] =	vst v63  }
0xda: {  	_ =	swait.ge [sflag:s22], $0xA00  }
0xdb: {  	[sflag:s22] =	ssyncset.done $0x0  }
0xdc: {  	[sflag:s22] =	ssyncadd.s32 $0xFFFFF600  }
0xdd: {  	v2 =	vmov s30;
	[tilespmem:s23], [sflag:$0x2] =	stream.linear.gather [hbm4b:s11+s30], $0x1400, $0x38;
	[tilespmem:$0x183D0] =	vst v63  }
0xde: {  	v2 =	vshll.u32 v2, $0x3;
	_ =	swait.ge [sflag:s22], $0x1400  }
0xdf: {  	v3 =	vadd.s32 v1, v2;
	[sflag:s22] =	ssyncset.done $0x0  }
0xe0: {  	v2 =	vor.u32 v0, v2;
	v4 =	vor.u32 $0x5, v3;
	[sflag:s22] =	ssyncadd.s32 $0xFFFFEC00  }
0xe1: {  	v5 =	vor.u32 $0x2, v2;
	[tilespmem:s25], [sflag:$0x1] =	stream.indirect.gather [hbm4b:s3+s23], $0x8, s23, s23, $0xb8;
	[tilespmem:$0x183D0] =	vst v63  }
0xe2: {  	v6 =	vor.u32 $0x3, v3;
	_ =	swait.ge [sflag:s26], $0xA000  }
0xe3: {  	v7 =	vor.u32 $0x3, v2;
	[sflag:s26] =	ssyncset.done $0x0  }
0xe4: {  	v8 =	vor.u32 $0x4, v3;
	[sflag:s26] =	ssyncadd.s32 $0xFFFF6000  }
0xe5: {  	v4 =	vld.idx.msk [tilespmem:v4+s24+$0x0], $0xffff  }
0xe6: {  	v5 =	vld.idx.msk [tilespmem:v5+s24+$0x0], $0xffff  }
0xe7: {  	v9 =	vor.u32 $0x1, v2;
	v6 =	vld.idx.msk [tilespmem:v6+s24+$0x0], $0xffff  }
0xe8: {  	v10 =	vor.u32 $0x1, v3;
	v7 =	vld.idx.msk [tilespmem:v7+s24+$0x0], $0xffff  }
0xe9: {  	v11 =	vor.u32 $0x4, v2;
	v8 =	vld.idx.msk [tilespmem:v8+s24+$0x0], $0xffff  }
0xea: {  	v62 =	vld.idx.msk [tilespmem:v3+s24+$0x0], $0xffff;
	v3 =	vor.u32 $0x2, v3  }
0xeb: {  	v63 =	vld.idx.msk [tilespmem:v2+s24+$0x0], $0xffff;
	v2 =	vor.u32 $0x5, v2  }
0xec: {  	v9 =	vld.idx.msk [tilespmem:v9+s24+$0x0], $0xffff  }
0xed: {  	v10 =	vld.idx.msk [tilespmem:v10+s24+$0x0], $0xffff  }
0xee: {  	v11 =	vld.idx.msk [tilespmem:v11+s24+$0x0], $0xffff  }
0xef: {  	v3 =	vld.idx.msk [tilespmem:v3+s24+$0x0], $0xffff  }
0xf0: {  	s30 =	simm.s32 $0x10;
	v14 =	vld.idx.msk [tilespmem:v2+s24+$0x0], $0xffff  }
0xf1: {  	v2 =	vmov s30  }
0xf2: {  	v12 =	vsub.f32 v63, v62;
	v9 =	vsub.f32 v9, v10;
	v15 =	vshll.u32 v2, $0x3  }
0xf3: {  	v6 =	vsub.f32 v7, v6;
	v7 =	vsub.f32 v11, v8;
	v2 =	vor.u32 v0, v15  }
0xf4: {  	v8 =	vmul.f32 v12, v12;
	v9 =	vmul.f32 v9, v9;
	v3 =	vsub.f32 v5, v3  }
0xf5: {  	v6 =	vmul.f32 v6, v6;
	v7 =	vmul.f32 v7, v7;
	v4 =	vsub.f32 v14, v4  }
0xf6: {  	v8 =	vadd.f32 v9, v8;
	v5 =	vadd.s32 v1, v15;
	v3 =	vmul.f32 v3, v3  }
0xf7: {  	v6 =	vadd.f32 v7, v6;
	v9 =	vor.u32 $0x5, v5;
	v4 =	vmul.f32 v4, v4  }
0xf8: {  	v10 =	vor.u32 $0x2, v2;
	v3 =	vadd.f32 v3, v8  }
0xf9: {  	v4 =	vadd.f32 v4, v6;
	v6 =	vor.u32 $0x3, v5  }
0xfa: {  	v7 =	vor.u32 $0x3, v2;
	[tilespmem:s1+$0x0] =	vst v3  }
0xfb: {  	v8 =	vor.u32 $0x4, v5;
	[tilespmem:s0+$0x0] =	vst v4  }
0xfc: {  	v3 =	vld.idx.msk [tilespmem:v9+s24+$0x0], $0xffff  }
0xfd: {  	s30 =	simm.s32 $0x20;
	v4 =	vld.idx.msk [tilespmem:v10+s24+$0x0], $0xffff  }
.LBB2_6:
0xfe: {  	p1 =	sne.s32 s30, $0x9F0;
	v9 =	vor.u32 $0x1, v2;
	v6 =	vld.idx.msk [tilespmem:v6+s24+$0x0], $0xffff  }
0xff: {  	v10 =	vor.u32 $0x1, v5;
	v7 =	vld.idx.msk [tilespmem:v7+s24+$0x0], $0xffff  }
0x100: {  	v11 =	vor.u32 $0x4, v2;
	v8 =	vld.idx.msk [tilespmem:v8+s24+$0x0], $0xffff  }
0x101: {  	v12 =	vld.idx.msk [tilespmem:v5+s24+$0x0], $0xffff;
	v5 =	vor.u32 $0x2, v5  }
0x102: {  	v13 =	vld.idx.msk [tilespmem:v2+s24+$0x0], $0xffff;
	v2 =	vor.u32 $0x5, v2  }
0x103: {  	v9 =	vld.idx.msk [tilespmem:v9+s24+$0x0], $0xffff  }
0x104: {  	v10 =	vld.idx.msk [tilespmem:v10+s24+$0x0], $0xffff  }
0x105: {  	v11 =	vld.idx.msk [tilespmem:v11+s24+$0x0], $0xffff  }
0x106: {  	v5 =	vld.idx.msk [tilespmem:v5+s24+$0x0], $0xffff  }
0x107: {  	v14 =	vld.idx.msk [tilespmem:v2+s24+$0x0], $0xffff;
	_ =	sdelay $0x1  }
0x108: {  	v2 =	vmov s30  }
0x109: {  	v12 =	vsub.f32 v13, v12;
	v15 =	vshll.u32 v2, $0x3;
	v9 =	vsub.f32 v9, v10  }
0x10a: {  	v6 =	vsub.f32 v7, v6;
	v2 =	vor.u32 v0, v15;
	v7 =	vsub.f32 v11, v8  }
0x10b: {  	v8 =	vmul.f32 v12, v12;
	v9 =	vmul.f32 v9, v9;
	v4 =	vsub.f32 v4, v5  }
0x10c: {  	v6 =	vmul.f32 v6, v6;
	v7 =	vmul.f32 v7, v7;
	v3 =	vsub.f32 v14, v3  }
0x10d: {  	v5 =	vadd.s32 v1, v15;
	v8 =	vadd.f32 v9, v8;
	v4 =	vmul.f32 v4, v4  }
0x10e: {  	v9 =	vor.u32 $0x5, v5;
	v7 =	vadd.f32 v7, v6;
	v3 =	vmul.f32 v3, v3  }
0x10f: {  	v10 =	vor.u32 $0x2, v2;
	v4 =	vadd.f32 v4, v8  }
.Ltmp4:
0x110: {  	s1 =	sadd.s32 $0x10, s1;
	v6 =	vor.u32 $0x3, v5;
	v3 =	vadd.f32 v3, v7;
	(pc) =	sbr.rel @p1 .LBB2_6-.Ltmp4, $4  }
0x111: {  	s0 =	sadd.s32 $0x10, s0;
	v7 =	vor.u32 $0x3, v2;
	[tilespmem:s1+$0x0] =	vst v4  }
0x112: {  	v8 =	vor.u32 $0x4, v5;
	[tilespmem:s0+$0x0] =	vst v3  }
0x113: {  	v3 =	vld.idx.msk [tilespmem:v9+s24+$0x0], $0xffff  }
0x114: {  	s30 =	sadd.s32 $0x10, s30;
	v4 =	vld.idx.msk [tilespmem:v10+s24+$0x0], $0xffff  }
0x115: {  	_ =	sdelay $0x3  }
0x116: {  	v9 =	vor.u32 $0x1, v2;
	v6 =	vld.idx.msk [tilespmem:v6+s24+$0x0], $0xffff  }
0x117: {  	v10 =	vor.u32 $0x1, v5;
	v7 =	vld.idx.msk [tilespmem:v7+s24+$0x0], $0xffff  }
0x118: {  	v11 =	vor.u32 $0x4, v2;
	v8 =	vld.idx.msk [tilespmem:v8+s24+$0x0], $0xffff  }
0x119: {  	v12 =	vld.idx.msk [tilespmem:v5+s24+$0x0], $0xffff;
	v5 =	vor.u32 $0x2, v5  }
0x11a: {  	v13 =	vld.idx.msk [tilespmem:v2+s24+$0x0], $0xffff;
	v2 =	vor.u32 $0x5, v2  }
0x11b: {  	v9 =	vld.idx.msk [tilespmem:v9+s24+$0x0], $0xffff  }
0x11c: {  	v10 =	vld.idx.msk [tilespmem:v10+s24+$0x0], $0xffff  }
0x11d: {  	v11 =	vld.idx.msk [tilespmem:v11+s24+$0x0], $0xffff  }
0x11e: {  	v5 =	vld.idx.msk [tilespmem:v5+s24+$0x0], $0xffff  }
0x11f: {  	v2 =	vld.idx.msk [tilespmem:v2+s24+$0x0], $0xffff;
	_ =	sdelay $0x1  }
0x120: {  	v12 =	vsub.f32 v13, v12;
	v9 =	vsub.f32 v9, v10  }
0x121: {  	v6 =	vsub.f32 v7, v6;
	v7 =	vsub.f32 v11, v8  }
0x122: {  	v8 =	vmul.f32 v12, v12;
	v4 =	vsub.f32 v4, v5;
	v9 =	vmul.f32 v9, v9  }
0x123: {  	v5 =	vmul.f32 v6, v6;
	v2 =	vsub.f32 v2, v3;
	v6 =	vmul.f32 v7, v7  }
0x124: {  	v4 =	vmul.f32 v4, v4;
	v3 =	vadd.f32 v9, v8  }
0x125: {  	v2 =	vmul.f32 v2, v2;
	v5 =	vadd.f32 v6, v5  }
0x126: {  	v3 =	vadd.f32 v4, v3  }
0x127: {  	s1 =	sadd.s32 $0x10, s1;
	v2 =	vadd.f32 v2, v5  }
0x128: {  	s0 =	sadd.s32 $0x10, s0;
	[tilespmem:s1+$0x0] =	vst v3  }
0x129: {  	s30 =	simm.s32 $0x0;
	s1 =	simm.s32 $0x16800;
	[tilespmem:s0+$0x0] =	vst v2  }
0x12a: {  	[hbm4b:s12+s30] =	stream.linear.scatter [tilespmem:s1], [sflag:$0x2], $0xA00, $0x38;
	[tilespmem:$0x183D0] =	vst v63  }
0x12b: {  	_ =	swait.ge [sflag:s22], $0xA00  }
0x12c: {  	[sflag:s22] =	ssyncset.done $0x0  }
0x12d: {  	s0 =	simm.s32 $0x17200;
	[sflag:s22] =	ssyncadd.s32 $0xFFFFF600  }
0x12e: {  	[hbm4b:s13+s30] =	stream.linear.scatter [tilespmem:s0], [sflag:$0x2], $0xA00, $0x38;
	[tilespmem:$0x183D0] =	vst v63  }
0x12f: {  	_ =	swait.ge [sflag:s22], $0xA00  }
0x130: {  	[sflag:s22] =	ssyncset.done $0x0  }
0x131: {  	[sflag:s22] =	ssyncadd.s32 $0xFFFFF600  }
0x132: {  	v2 =	vmov s30;
	[tilespmem:s30], [sflag:$0x2] =	stream.linear.gather [hbm4b:s14+s30], $0x1400, $0x38;
	[tilespmem:$0x183D0] =	vst v63  }
0x133: {  	v2 =	vshll.u32 v2, $0x3;
	_ =	swait.ge [sflag:s22], $0x1400  }
0x134: {  	v3 =	vadd.s32 v1, v2;
	[sflag:s22] =	ssyncset.done $0x0  }
0x135: {  	v2 =	vor.u32 v0, v2;
	v4 =	vor.u32 $0x5, v3;
	[sflag:s22] =	ssyncadd.s32 $0xFFFFEC00  }
0x136: {  	v5 =	vor.u32 $0x2, v2;
	[tilespmem:s24], [sflag:$0x1] =	stream.indirect.gather [hbm4b:s3+s23], $0x8, s30, s23, $0xb8;
	[tilespmem:$0x183D0] =	vst v63  }
0x137: {  	v6 =	vor.u32 $0x3, v3;
	_ =	swait.ge [sflag:s26], $0xA000  }
0x138: {  	v7 =	vor.u32 $0x3, v2;
	[sflag:s26] =	ssyncset.done $0x0  }
0x139: {  	v8 =	vor.u32 $0x4, v3;
	[sflag:s26] =	ssyncadd.s32 $0xFFFF6000  }
0x13a: {  	v4 =	vld.idx.msk [tilespmem:v4+s25+$0x0], $0xffff  }
0x13b: {  	v5 =	vld.idx.msk [tilespmem:v5+s25+$0x0], $0xffff  }
0x13c: {  	v9 =	vor.u32 $0x1, v2;
	v6 =	vld.idx.msk [tilespmem:v6+s25+$0x0], $0xffff  }
0x13d: {  	v10 =	vor.u32 $0x1, v3;
	v7 =	vld.idx.msk [tilespmem:v7+s25+$0x0], $0xffff  }
0x13e: {  	v11 =	vor.u32 $0x4, v2;
	v8 =	vld.idx.msk [tilespmem:v8+s25+$0x0], $0xffff  }
0x13f: {  	v62 =	vld.idx.msk [tilespmem:v3+s25+$0x0], $0xffff;
	v3 =	vor.u32 $0x2, v3  }
0x140: {  	v63 =	vld.idx.msk [tilespmem:v2+s25+$0x0], $0xffff;
	v2 =	vor.u32 $0x5, v2  }
0x141: {  	v9 =	vld.idx.msk [tilespmem:v9+s25+$0x0], $0xffff  }
0x142: {  	v10 =	vld.idx.msk [tilespmem:v10+s25+$0x0], $0xffff  }
0x143: {  	v11 =	vld.idx.msk [tilespmem:v11+s25+$0x0], $0xffff  }
0x144: {  	v3 =	vld.idx.msk [tilespmem:v3+s25+$0x0], $0xffff  }
0x145: {  	s30 =	simm.s32 $0x10;
	v14 =	vld.idx.msk [tilespmem:v2+s25+$0x0], $0xffff  }
0x146: {  	v2 =	vmov s30  }
0x147: {  	v12 =	vsub.f32 v63, v62;
	v9 =	vsub.f32 v9, v10;
	v15 =	vshll.u32 v2, $0x3  }
0x148: {  	v6 =	vsub.f32 v7, v6;
	v7 =	vsub.f32 v11, v8;
	v2 =	vor.u32 v0, v15  }
0x149: {  	v8 =	vmul.f32 v12, v12;
	v9 =	vmul.f32 v9, v9;
	v3 =	vsub.f32 v5, v3  }
0x14a: {  	v6 =	vmul.f32 v6, v6;
	v7 =	vmul.f32 v7, v7;
	v4 =	vsub.f32 v14, v4  }
0x14b: {  	v8 =	vadd.f32 v9, v8;
	v5 =	vadd.s32 v1, v15;
	v3 =	vmul.f32 v3, v3  }
0x14c: {  	v6 =	vadd.f32 v7, v6;
	v9 =	vor.u32 $0x5, v5;
	v4 =	vmul.f32 v4, v4  }
0x14d: {  	v10 =	vor.u32 $0x2, v2;
	v3 =	vadd.f32 v3, v8  }
0x14e: {  	v4 =	vadd.f32 v4, v6;
	v6 =	vor.u32 $0x3, v5  }
0x14f: {  	v7 =	vor.u32 $0x3, v2;
	[tilespmem:s1+$0x0] =	vst v3  }
0x150: {  	v8 =	vor.u32 $0x4, v5;
	[tilespmem:s0+$0x0] =	vst v4  }
0x151: {  	v3 =	vld.idx.msk [tilespmem:v9+s25+$0x0], $0xffff  }
0x152: {  	s30 =	simm.s32 $0x20;
	v4 =	vld.idx.msk [tilespmem:v10+s25+$0x0], $0xffff  }
.LBB2_8:
0x153: {  	p1 =	sne.s32 s30, $0x9F0;
	v9 =	vor.u32 $0x1, v2;
	v6 =	vld.idx.msk [tilespmem:v6+s25+$0x0], $0xffff  }
0x154: {  	v10 =	vor.u32 $0x1, v5;
	v7 =	vld.idx.msk [tilespmem:v7+s25+$0x0], $0xffff  }
0x155: {  	v11 =	vor.u32 $0x4, v2;
	v8 =	vld.idx.msk [tilespmem:v8+s25+$0x0], $0xffff  }
0x156: {  	v12 =	vld.idx.msk [tilespmem:v5+s25+$0x0], $0xffff;
	v5 =	vor.u32 $0x2, v5  }
0x157: {  	v13 =	vld.idx.msk [tilespmem:v2+s25+$0x0], $0xffff;
	v2 =	vor.u32 $0x5, v2  }
0x158: {  	v9 =	vld.idx.msk [tilespmem:v9+s25+$0x0], $0xffff  }
0x159: {  	v10 =	vld.idx.msk [tilespmem:v10+s25+$0x0], $0xffff  }
0x15a: {  	v11 =	vld.idx.msk [tilespmem:v11+s25+$0x0], $0xffff  }
0x15b: {  	v5 =	vld.idx.msk [tilespmem:v5+s25+$0x0], $0xffff  }
0x15c: {  	v14 =	vld.idx.msk [tilespmem:v2+s25+$0x0], $0xffff;
	_ =	sdelay $0x1  }
0x15d: {  	v2 =	vmov s30  }
0x15e: {  	v12 =	vsub.f32 v13, v12;
	v15 =	vshll.u32 v2, $0x3;
	v9 =	vsub.f32 v9, v10  }
0x15f: {  	v6 =	vsub.f32 v7, v6;
	v2 =	vor.u32 v0, v15;
	v7 =	vsub.f32 v11, v8  }
0x160: {  	v8 =	vmul.f32 v12, v12;
	v9 =	vmul.f32 v9, v9;
	v4 =	vsub.f32 v4, v5  }
0x161: {  	v6 =	vmul.f32 v6, v6;
	v7 =	vmul.f32 v7, v7;
	v3 =	vsub.f32 v14, v3  }
0x162: {  	v5 =	vadd.s32 v1, v15;
	v8 =	vadd.f32 v9, v8;
	v4 =	vmul.f32 v4, v4  }
0x163: {  	v9 =	vor.u32 $0x5, v5;
	v7 =	vadd.f32 v7, v6;
	v3 =	vmul.f32 v3, v3  }
0x164: {  	v10 =	vor.u32 $0x2, v2;
	v4 =	vadd.f32 v4, v8  }
.Ltmp5:
0x165: {  	s1 =	sadd.s32 $0x10, s1;
	v6 =	vor.u32 $0x3, v5;
	v3 =	vadd.f32 v3, v7;
	(pc) =	sbr.rel @p1 .LBB2_8-.Ltmp5, $4  }
0x166: {  	s0 =	sadd.s32 $0x10, s0;
	v7 =	vor.u32 $0x3, v2;
	[tilespmem:s1+$0x0] =	vst v4  }
0x167: {  	v8 =	vor.u32 $0x4, v5;
	[tilespmem:s0+$0x0] =	vst v3  }
0x168: {  	v3 =	vld.idx.msk [tilespmem:v9+s25+$0x0], $0xffff  }
0x169: {  	s30 =	sadd.s32 $0x10, s30;
	v4 =	vld.idx.msk [tilespmem:v10+s25+$0x0], $0xffff  }
0x16a: {  	_ =	sdelay $0x3  }
0x16b: {  	v9 =	vor.u32 $0x1, v2;
	v6 =	vld.idx.msk [tilespmem:v6+s25+$0x0], $0xffff  }
0x16c: {  	v10 =	vor.u32 $0x1, v5;
	v7 =	vld.idx.msk [tilespmem:v7+s25+$0x0], $0xffff  }
0x16d: {  	v11 =	vor.u32 $0x4, v2;
	v8 =	vld.idx.msk [tilespmem:v8+s25+$0x0], $0xffff  }
0x16e: {  	v12 =	vld.idx.msk [tilespmem:v5+s25+$0x0], $0xffff;
	v5 =	vor.u32 $0x2, v5  }
0x16f: {  	v13 =	vld.idx.msk [tilespmem:v2+s25+$0x0], $0xffff;
	v2 =	vor.u32 $0x5, v2  }
0x170: {  	v9 =	vld.idx.msk [tilespmem:v9+s25+$0x0], $0xffff  }
0x171: {  	v10 =	vld.idx.msk [tilespmem:v10+s25+$0x0], $0xffff  }
0x172: {  	v11 =	vld.idx.msk [tilespmem:v11+s25+$0x0], $0xffff  }
0x173: {  	v5 =	vld.idx.msk [tilespmem:v5+s25+$0x0], $0xffff  }
0x174: {  	v2 =	vld.idx.msk [tilespmem:v2+s25+$0x0], $0xffff;
	_ =	sdelay $0x1  }
0x175: {  	v12 =	vsub.f32 v13, v12;
	v9 =	vsub.f32 v9, v10  }
0x176: {  	v6 =	vsub.f32 v7, v6;
	v7 =	vsub.f32 v11, v8  }
0x177: {  	v8 =	vmul.f32 v12, v12;
	v4 =	vsub.f32 v4, v5;
	v9 =	vmul.f32 v9, v9  }
0x178: {  	v5 =	vmul.f32 v6, v6;
	v2 =	vsub.f32 v2, v3;
	v6 =	vmul.f32 v7, v7  }
0x179: {  	v4 =	vmul.f32 v4, v4;
	v3 =	vadd.f32 v9, v8  }
0x17a: {  	v2 =	vmul.f32 v2, v2;
	v5 =	vadd.f32 v6, v5  }
0x17b: {  	v3 =	vadd.f32 v4, v3  }
0x17c: {  	s1 =	sadd.s32 $0x10, s1;
	v2 =	vadd.f32 v2, v5  }
0x17d: {  	s0 =	sadd.s32 $0x10, s0;
	[tilespmem:s1+$0x0] =	vst v3  }
0x17e: {  	s30 =	simm.s32 $0x0;
	[tilespmem:s0+$0x0] =	vst v2;
	s0 =	simm.s32 $0x16800  }
0x17f: {  	[hbm4b:s15+s30] =	stream.linear.scatter [tilespmem:s0], [sflag:$0x2], $0xA00, $0x38;
	[tilespmem:$0x183D0] =	vst v63  }
0x180: {  	_ =	swait.ge [sflag:s22], $0xA00  }
0x181: {  	[sflag:s22] =	ssyncset.done $0x0  }
0x182: {  	s1 =	simm.s32 $0x17200;
	v2 =	vmov s30;
	[sflag:s22] =	ssyncadd.s32 $0xFFFFF600  }
0x183: {  	v2 =	vshll.u32 v2, $0x3;
	[hbm4b:s16+s30] =	stream.linear.scatter [tilespmem:s1], [sflag:$0x2], $0xA00, $0x38;
	[tilespmem:$0x183D0] =	vst v63  }
0x184: {  	v3 =	vadd.s32 v1, v2;
	_ =	swait.ge [sflag:s22], $0xA00  }
0x185: {  	v2 =	vor.u32 v0, v2;
	v4 =	vor.u32 $0x5, v3;
	[sflag:s22] =	ssyncset.done $0x0  }
0x186: {  	v5 =	vor.u32 $0x2, v2;
	[sflag:s22] =	ssyncadd.s32 $0xFFFFF600  }
0x187: {  	v6 =	vor.u32 $0x3, v3;
	_ =	swait.ge [sflag:s26], $0xA000  }
0x188: {  	v7 =	vor.u32 $0x3, v2;
	[sflag:s26] =	ssyncset.done $0x0  }
0x189: {  	v8 =	vor.u32 $0x4, v3;
	[sflag:s26] =	ssyncadd.s32 $0xFFFF6000  }
0x18a: {  	v4 =	vld.idx.msk [tilespmem:v4+s24+$0x0], $0xffff  }
0x18b: {  	v5 =	vld.idx.msk [tilespmem:v5+s24+$0x0], $0xffff  }
0x18c: {  	v9 =	vor.u32 $0x1, v2;
	v6 =	vld.idx.msk [tilespmem:v6+s24+$0x0], $0xffff  }
0x18d: {  	v10 =	vor.u32 $0x1, v3;
	v7 =	vld.idx.msk [tilespmem:v7+s24+$0x0], $0xffff  }
0x18e: {  	v11 =	vor.u32 $0x4, v2;
	v8 =	vld.idx.msk [tilespmem:v8+s24+$0x0], $0xffff  }
0x18f: {  	v62 =	vld.idx.msk [tilespmem:v3+s24+$0x0], $0xffff;
	v3 =	vor.u32 $0x2, v3  }
0x190: {  	v63 =	vld.idx.msk [tilespmem:v2+s24+$0x0], $0xffff;
	v2 =	vor.u32 $0x5, v2  }
0x191: {  	v9 =	vld.idx.msk [tilespmem:v9+s24+$0x0], $0xffff  }
0x192: {  	v10 =	vld.idx.msk [tilespmem:v10+s24+$0x0], $0xffff  }
0x193: {  	v11 =	vld.idx.msk [tilespmem:v11+s24+$0x0], $0xffff  }
0x194: {  	v3 =	vld.idx.msk [tilespmem:v3+s24+$0x0], $0xffff  }
0x195: {  	s30 =	simm.s32 $0x10;
	v14 =	vld.idx.msk [tilespmem:v2+s24+$0x0], $0xffff  }
0x196: {  	v2 =	vmov s30  }
0x197: {  	v12 =	vsub.f32 v63, v62;
	v9 =	vsub.f32 v9, v10;
	v15 =	vshll.u32 v2, $0x3  }
0x198: {  	v6 =	vsub.f32 v7, v6;
	v7 =	vsub.f32 v11, v8;
	v2 =	vor.u32 v0, v15  }
0x199: {  	v8 =	vmul.f32 v12, v12;
	v9 =	vmul.f32 v9, v9;
	v3 =	vsub.f32 v5, v3  }
0x19a: {  	v6 =	vmul.f32 v6, v6;
	v7 =	vmul.f32 v7, v7;
	v4 =	vsub.f32 v14, v4  }
0x19b: {  	v8 =	vadd.f32 v9, v8;
	v5 =	vadd.s32 v1, v15;
	v3 =	vmul.f32 v3, v3  }
0x19c: {  	v6 =	vadd.f32 v7, v6;
	v9 =	vor.u32 $0x5, v5;
	v4 =	vmul.f32 v4, v4  }
0x19d: {  	v10 =	vor.u32 $0x2, v2;
	v3 =	vadd.f32 v3, v8  }
0x19e: {  	v4 =	vadd.f32 v4, v6;
	v6 =	vor.u32 $0x3, v5  }
0x19f: {  	v7 =	vor.u32 $0x3, v2;
	[tilespmem:s0+$0x0] =	vst v3  }
0x1a0: {  	v8 =	vor.u32 $0x4, v5;
	[tilespmem:s1+$0x0] =	vst v4  }
0x1a1: {  	v3 =	vld.idx.msk [tilespmem:v9+s24+$0x0], $0xffff  }
0x1a2: {  	s30 =	simm.s32 $0x20;
	v4 =	vld.idx.msk [tilespmem:v10+s24+$0x0], $0xffff  }
.LBB2_10:
0x1a3: {  	p1 =	sne.s32 s30, $0x9F0;
	v9 =	vor.u32 $0x1, v2;
	v6 =	vld.idx.msk [tilespmem:v6+s24+$0x0], $0xffff  }
0x1a4: {  	v10 =	vor.u32 $0x1, v5;
	v7 =	vld.idx.msk [tilespmem:v7+s24+$0x0], $0xffff  }
0x1a5: {  	v11 =	vor.u32 $0x4, v2;
	v8 =	vld.idx.msk [tilespmem:v8+s24+$0x0], $0xffff  }
0x1a6: {  	v12 =	vld.idx.msk [tilespmem:v5+s24+$0x0], $0xffff;
	v5 =	vor.u32 $0x2, v5  }
0x1a7: {  	v13 =	vld.idx.msk [tilespmem:v2+s24+$0x0], $0xffff;
	v2 =	vor.u32 $0x5, v2  }
0x1a8: {  	v9 =	vld.idx.msk [tilespmem:v9+s24+$0x0], $0xffff  }
0x1a9: {  	v10 =	vld.idx.msk [tilespmem:v10+s24+$0x0], $0xffff  }
0x1aa: {  	v11 =	vld.idx.msk [tilespmem:v11+s24+$0x0], $0xffff  }
0x1ab: {  	v5 =	vld.idx.msk [tilespmem:v5+s24+$0x0], $0xffff  }
0x1ac: {  	v14 =	vld.idx.msk [tilespmem:v2+s24+$0x0], $0xffff;
	_ =	sdelay $0x1  }
0x1ad: {  	v2 =	vmov s30  }
0x1ae: {  	v12 =	vsub.f32 v13, v12;
	v15 =	vshll.u32 v2, $0x3;
	v9 =	vsub.f32 v9, v10  }
0x1af: {  	v6 =	vsub.f32 v7, v6;
	v2 =	vor.u32 v0, v15;
	v7 =	vsub.f32 v11, v8  }
0x1b0: {  	v8 =	vmul.f32 v12, v12;
	v9 =	vmul.f32 v9, v9;
	v4 =	vsub.f32 v4, v5  }
0x1b1: {  	v6 =	vmul.f32 v6, v6;
	v7 =	vmul.f32 v7, v7;
	v3 =	vsub.f32 v14, v3  }
0x1b2: {  	v5 =	vadd.s32 v1, v15;
	v8 =	vadd.f32 v9, v8;
	v4 =	vmul.f32 v4, v4  }
0x1b3: {  	v9 =	vor.u32 $0x5, v5;
	v7 =	vadd.f32 v7, v6;
	v3 =	vmul.f32 v3, v3  }
0x1b4: {  	v10 =	vor.u32 $0x2, v2;
	v4 =	vadd.f32 v4, v8  }
.Ltmp6:
0x1b5: {  	s0 =	sadd.s32 $0x10, s0;
	v6 =	vor.u32 $0x3, v5;
	v3 =	vadd.f32 v3, v7;
	(pc) =	sbr.rel @p1 .LBB2_10-.Ltmp6, $4  }
0x1b6: {  	s1 =	sadd.s32 $0x10, s1;
	v7 =	vor.u32 $0x3, v2;
	[tilespmem:s0+$0x0] =	vst v4  }
0x1b7: {  	v8 =	vor.u32 $0x4, v5;
	[tilespmem:s1+$0x0] =	vst v3  }
0x1b8: {  	v3 =	vld.idx.msk [tilespmem:v9+s24+$0x0], $0xffff  }
0x1b9: {  	s30 =	sadd.s32 $0x10, s30;
	v4 =	vld.idx.msk [tilespmem:v10+s24+$0x0], $0xffff  }
0x1ba: {  	_ =	sdelay $0x3  }
0x1bb: {  	v9 =	vor.u32 $0x1, v2;
	v6 =	vld.idx.msk [tilespmem:v6+s24+$0x0], $0xffff  }
0x1bc: {  	v10 =	vor.u32 $0x1, v5;
	v7 =	vld.idx.msk [tilespmem:v7+s24+$0x0], $0xffff  }
0x1bd: {  	v11 =	vor.u32 $0x4, v2;
	v8 =	vld.idx.msk [tilespmem:v8+s24+$0x0], $0xffff  }
0x1be: {  	v12 =	vld.idx.msk [tilespmem:v5+s24+$0x0], $0xffff;
	v59 =	vor.u32 $0x2, v5  }
0x1bf: {  	v13 =	vld.idx.msk [tilespmem:v2+s24+$0x0], $0xffff;
	v2 =	vor.u32 $0x5, v2  }
0x1c0: {  	v9 =	vld.idx.msk [tilespmem:v9+s24+$0x0], $0xffff  }
0x1c1: {  	v10 =	vld.idx.msk [tilespmem:v10+s24+$0x0], $0xffff  }
0x1c2: {  	v11 =	vld.idx.msk [tilespmem:v11+s24+$0x0], $0xffff  }
0x1c3: {  	v5 =	vld.idx.msk [tilespmem:v59+s24+$0x0], $0xffff  }
0x1c4: {  	v2 =	vld.idx.msk [tilespmem:v2+s24+$0x0], $0xffff;
	_ =	sdelay $0x1  }
0x1c5: {  	v12 =	vsub.f32 v13, v12;
	v9 =	vsub.f32 v9, v10  }
0x1c6: {  	v6 =	vsub.f32 v7, v6;
	v60 =	vsub.f32 v11, v8  }
0x1c7: {  	v61 =	vmul.f32 v12, v12;
	v4 =	vsub.f32 v4, v5;
	v9 =	vmul.f32 v9, v9  }
0x1c8: {  	v62 =	vmul.f32 v6, v6;
	v2 =	vsub.f32 v2, v3;
	v63 =	vmul.f32 v60, v60  }
0x1c9: {  	v4 =	vmul.f32 v4, v4;
	v3 =	vadd.f32 v9, v61  }
0x1ca: {  	v2 =	vmul.f32 v2, v2;
	v5 =	vadd.f32 v63, v62  }
0x1cb: {  	v3 =	vadd.f32 v4, v3  }
0x1cc: {  	s0 =	sadd.s32 $0x10, s0;
	v2 =	vadd.f32 v2, v5  }
0x1cd: {  	s30 =	sadd.s32 $0x10, s1;
	[tilespmem:s0+$0x0] =	vst v3  }
0x1ce: {  	[tilespmem:s30+$0x0] =	vst v2  }
0x1cf: {  	[hbm4b:s17+s2] =	stream.linear.scatter [tilespmem:s28], [sflag:$0x2], $0xA00, $0x38;
	[tilespmem:$0x183D0] =	vst v63  }
0x1d0: {  	_ =	swait.ge [sflag:s22], $0xA00  }
0x1d1: {  	[sflag:s22] =	ssyncset.done $0x0  }
.Ltmp7:
0x1d2: {  	[sflag:s22] =	ssyncadd.s32 $0xFFFFF600;
	(pc) =	sbr.rel @p0 .LBB2_15-.Ltmp7, $4  }
0x1d3: {  	[hbm4b:s18+s2] =	stream.linear.scatter [tilespmem:s29], [sflag:$0x2], $0xA00, $0x38;
	[tilespmem:$0x183D0] =	vst v63  }
0x1d4: {  	_ =	swait.ge [sflag:s22], $0xA00  }
0x1d5: {  	[sflag:s22] =	ssyncset.done $0x0  }
0x1d6: {  	[sflag:s22] =	ssyncadd.s32 $0xFFFFF600  }
0x1d7: {  	s0 =	simm.s32 $0x0  }
0x1d8: {  	v2 =	vmov s0  }
0x1d9: {  	v2 =	vshll.u32 v2, $0x3  }
0x1da: {  	v2 =	vor.u32 v0, v2  }
0x1db: {  	[tilespmem:s24], [sflag:$0x2] =	stream.linear.gather [hbm4b:s19+s0], $0x3E80, $0x38;
	v3 =	vor.u32 $0x3, v2;
	[tilespmem:$0x183D0] =	vst v63  }
0x1dc: {  	_ =	swait.ge [sflag:s22], $0x3E80;
	v4 =	vor.u32 $0x1, v2  }
0x1dd: {  	[sflag:s22] =	ssyncset.done $0x0;
	v5 =	vor.u32 $0x4, v2  }
0x1de: {  	[sflag:s22] =	ssyncadd.s32 $0xFFFFC180;
	v6 =	vor.u32 $0x2, v2  }
0x1df: {  	v7 =	vor.u32 $0x5, v2;
	v2 =	vld.idx.msk [tilespmem:v2+s24+$0x0], $0xffff  }
0x1e0: {  	v3 =	vld.idx.msk [tilespmem:v3+s24+$0x0], $0xffff  }
0x1e1: {  	v4 =	vld.idx.msk [tilespmem:v4+s24+$0x0], $0xffff  }
0x1e2: {  	v5 =	vld.idx.msk [tilespmem:v5+s24+$0x0], $0xffff  }
0x1e3: {  	v6 =	vld.idx.msk [tilespmem:v6+s24+$0x0], $0xffff  }
0x1e4: {  	v7 =	vld.idx.msk [tilespmem:v7+s24+$0x0], $0xffff;
	_ =	sdelay $0x1  }
0x1e5: {  	s30 =	simm.s32 $0x10  }
0x1e6: {  	v8 =	vmov s30;
	v2 =	vsub.f32 v2, v3;
	v3 =	vsub.f32 v4, v5  }
0x1e7: {  	v4 =	vshll.u32 v8, $0x3  }
0x1e8: {  	v5 =	vsub.f32 v6, v7;
	v2 =	vmul.f32 v2, v2;
	v3 =	vmul.f32 v3, v3  }
0x1e9: {  	v4 =	vor.u32 v0, v4  }
0x1ea: {  	v6 =	vor.u32 $0x3, v4;
	v2 =	vadd.f32 v3, v2;
	v3 =	vmul.f32 v5, v5;
	_ =	sdelay $0x1  }
0x1eb: {  	v5 =	vor.u32 $0x1, v4;
	v2 =	vadd.f32 v3, v2  }
0x1ec: {  	s0 =	simm.s32 $0x17C00;
	v3 =	vor.u32 $0x4, v4  }
0x1ed: {  	v7 =	vor.u32 $0x2, v4;
	[tilespmem:s0+$0x0] =	vst v2  }
0x1ee: {  	v2 =	vld.idx.msk [tilespmem:v6+s24+$0x0], $0xffff;
	v6 =	vor.u32 $0x5, v4  }
0x1ef: {  	v4 =	vld.idx.msk [tilespmem:v4+s24+$0x0], $0xffff  }
0x1f0: {  	v5 =	vld.idx.msk [tilespmem:v5+s24+$0x0], $0xffff  }
0x1f1: {  	v3 =	vld.idx.msk [tilespmem:v3+s24+$0x0], $0xffff  }
0x1f2: {  	v7 =	vld.idx.msk [tilespmem:v7+s24+$0x0], $0xffff  }
0x1f3: {  	v6 =	vld.idx.msk [tilespmem:v6+s24+$0x0], $0xffff;
	_ =	sdelay $0x1  }
0x1f4: {  	s1 =	simm.s32 $0x20  }
0x1f5: {  	v62 =	vmov s1;
	v2 =	vsub.f32 v4, v2;
	v3 =	vsub.f32 v5, v3  }
0x1f6: {  	v4 =	vshll.u32 v62, $0x3  }
0x1f7: {  	v5 =	vmul.f32 v2, v2;
	v63 =	vmul.f32 v3, v3;
	v6 =	vsub.f32 v7, v6  }
0x1f8: {  	v2 =	vor.u32 v0, v4  }
0x1f9: {  	s1 =	simm.s32 $0x30;
	v3 =	vor.u32 $0x3, v2;
	v4 =	vadd.f32 v63, v5;
	v5 =	vmul.f32 v6, v6  }
.LBB2_13:
0x1fa: {  	p1 =	sne.s32 s1, $0x7C0  }
0x1fb: {  	v6 =	vor.u32 $0x1, v2;
	v4 =	vadd.f32 v5, v4  }
0x1fc: {  	v5 =	vor.u32 $0x4, v2;
	s0 =	sadd.s32 $0x10, s0  }
0x1fd: {  	v7 =	vor.u32 $0x2, v2;
	[tilespmem:s0+$0x0] =	vst v4  }
0x1fe: {  	v4 =	vor.u32 $0x5, v2;
	v3 =	vld.idx.msk [tilespmem:v3+s24+$0x0], $0xffff  }
0x1ff: {  	v2 =	vld.idx.msk [tilespmem:v2+s24+$0x0], $0xffff  }
0x200: {  	v6 =	vld.idx.msk [tilespmem:v6+s24+$0x0], $0xffff  }
0x201: {  	v5 =	vld.idx.msk [tilespmem:v5+s24+$0x0], $0xffff  }
0x202: {  	v7 =	vld.idx.msk [tilespmem:v7+s24+$0x0], $0xffff  }
0x203: {  	v4 =	vld.idx.msk [tilespmem:v4+s24+$0x0], $0xffff;
	_ =	sdelay $0x3  }
.Ltmp8:
0x204: {  	v8 =	vmov s1;
	v2 =	vsub.f32 v2, v3;
	v3 =	vsub.f32 v6, v5;
	(pc) =	sbr.rel @p1 .LBB2_13-.Ltmp8, $4  }
0x205: {  	v5 =	vshll.u32 v8, $0x3  }
0x206: {  	v6 =	vmul.f32 v2, v2;
	v8 =	vmul.f32 v3, v3;
	v7 =	vsub.f32 v7, v4  }
0x207: {  	v2 =	vor.u32 v0, v5  }
0x208: {  	s1 =	sadd.s32 $0x10, s1;
	v3 =	vor.u32 $0x3, v2;
	v4 =	vadd.f32 v8, v6;
	v5 =	vmul.f32 v7, v7  }
.Ltmp9:
0x209: {  	_ = 	snop;
	(pc) =	sbr.rel .LBB2_14-.Ltmp9, $1  }
0x20a: {  	_ =	sdelay $0x3  }
.LBB2_16:
0x20b: {  	_ =	sfence.sel $0x180000  }
0x20c: {  	[bflag:$0x0] =	sbarrier.arrive $0xFFFF  }
0x20d: {  	_ =	strace $0x90000047  }
0x20e: {  	s0 =	stileid.u32;
	[bflag:$0x2] =	sbarrier.arrive $0xFFFF  }
0x20f: {  	p0 =	sne.s32 s0, $0x0;
	s0 =	rddreg [dreg:$0x3]  }
0x210: {  	s0 =	sadd.s32 @!p0 $0x100000, s0  }
0x211: {  	[sflag:s0] =	ssyncadd.tile.s32 @!p0 $0x1;
	_ =	shalt  }
.Lfunc_end2:
_tile_overlayer_lowered:
.L_overlay_start_2:
0x212: {  	(tag) =	ssettag $0x2  }
0x213: {  	s0 =	rddreg [dreg:$0x0];
	s2 =	stileid.u32  }
0x214: {  	s1 =	rddreg [dreg:$0x1];
	p0 =	sne.s32 s2, $0x0  }
0x215: {  	s3 =	rddreg [dreg:$0x2];
	[bflag:$0x3] =	sbarrier.arrive $0xFFFF;
	s2 =	simm.s32 @!p0 $0x1C02  }
0x216: {  	[timem:s3], [sflag:s2] =	dma.local @!p0 [hbm:s0], s1  }
0x217: {  	s0 =	simm.s32 @!p0 $0x2  }
0x218: {  	_ =	swait.ge @!p0 [sflag:s0], s1  }
0x219: {  	s1 =	ssub.s32 @!p0 $0x0, s1;
	[sflag:s0] =	ssyncset.done @!p0 $0x0  }
0x21a: {  	[sflag:s0] =	ssyncadd.s32 @!p0 s1  }
0x21b: {  	[bflag:$0x3] =	sbarrier.arrive $0xFFFF  }
0x21c: {  	_ =	shalt  }

</sc_bundles>
